<compile_context>
chip_gen: v7x
topology: tpu7x:2x2x1
jax: 0.10.2.dev20260603
libtpu: 0.0.44.dev20260713+nightly
codegen_flags: <defaults>
</compile_context>

<pallas_src>
import functools

import jax
import jax.numpy as jnp
from jax import lax
from jax.experimental import pallas as pl
from jax.experimental.pallas import tpu as pltpu
from jax.experimental.pallas import tpu_sc as plsc

_N = 100000
_D = 128
_Q = 1024
_NB = 512
_NPAD = ((_N + _NB - 1) // _NB) * _NB


def _keys_kernel(q_ref, x_ref, qn_ref, xn_ref, out_ref):
    qx = jnp.dot(q_ref[...], x_ref[...].T, preferred_element_type=jnp.float32)
    d = (qn_ref[...] + xn_ref[...]) - 2.0 * qx
    u = jax.lax.bitcast_convert_type(d, jnp.int32)
    au = u & 0x7FFFFFFF
    r = au + 0xFFF + ((au >> 13) & 1)
    h = jnp.maximum((r - 0x38000000) >> 13, 0)
    out_ref[...] = 0x8000 + (h ^ (u >> 31))


def _compute_keys(q32, x32, qn32, xn32):
    grid = (_NPAD // _NB,)
    return pl.pallas_call(
        _keys_kernel,
        grid=grid,
        in_specs=[
            pl.BlockSpec((_Q, _D), lambda i: (0, 0)),
            pl.BlockSpec((_NB, _D), lambda i: (i, 0)),
            pl.BlockSpec((_Q, 1), lambda i: (0, 0)),
            pl.BlockSpec((1, _NB), lambda i: (0, i)),
        ],
        out_specs=pl.BlockSpec((_Q, _NB), lambda i: (0, i)),
        out_shape=jax.ShapeDtypeStruct((_Q, _NPAD), jnp.int32),
    )(q32, x32, qn32, xn32)


_C = _NPAD // 4
_NV = _C // 16
_QPW = _Q // 32


def _gather16(x, idx):
    dnums = lax.GatherDimensionNumbers(
        offset_dims=(), collapsed_slice_dims=(0,), start_index_map=(0,))
    return lax.gather(x, idx[:, None], dnums, (1,),
                      mode=lax.GatherScatterMode.PROMISE_IN_BOUNDS)


def _sc_select(keys):
    mesh = plsc.VectorSubcoreMesh(core_axis_name="c", subcore_axis_name="s")

    @functools.partial(
        pl.kernel,
        mesh=mesh,
        out_type=jax.ShapeDtypeStruct((_Q, 32), jnp.int32),
        compiler_params=pltpu.CompilerParams(needs_layout_passes=False),
        scratch_types=[
            pltpu.VMEM((_C,), jnp.int32),
            pltpu.VMEM((_C,), jnp.int32),
            pltpu.VMEM((32,), jnp.int32),
            pltpu.SemaphoreType.DMA,
            pltpu.SemaphoreType.DMA,
        ],
    )
    def sel(keys_hbm, out_hbm, buf0, buf1, outb, sem0, sem1):
        wid = lax.axis_index("s") * 2 + lax.axis_index("c")
        iota = lax.iota(jnp.int32, 16)
        INF = jnp.int32(0x7FFFFFFF)
        full15 = jnp.full((16,), 15, jnp.int32)
        bufs = (buf0, buf1)
        sems = (sem0, sem1)

        def scal(x):
            return jnp.squeeze(lax.slice(x, (0,), (1,)))

        def scan_chunk(carry, buf, base_int):
            def vbody(i, c2):
                L0, L1, I0, I1, t, gidx = c2
                v = buf[pl.ds(i * 16, 16)]
                m = v < t

                def do_insert(st):
                    def wcond(st2):
                        return scal(
                            plsc.all_reduce_population_count(st2[5])) > 0

                    def wbody(st2):
                        L0, L1, I0, I1, t, m2 = st2
                        lanev = plsc.all_reduce_ffs(m2)
                        kv = _gather16(v, lanev)
                        giv = _gather16(gidx, lanev)
                        pos = (plsc.all_reduce_population_count(L0 <= kv)
                               + plsc.all_reduce_population_count(L1 <= kv))
                        sh = jnp.maximum(iota - 1, 0)
                        L0s = _gather16(L0, sh)
                        L1s = _gather16(L1, sh)
                        I0s = _gather16(I0, sh)
                        I1s = _gather16(I1, sh)
                        l0last = _gather16(L0, full15)
                        i0last = _gather16(I0, full15)
                        g1 = iota + 16
                        nL0 = jnp.where(iota < pos, L0,
                                        jnp.where(iota == pos, kv, L0s))
                        nI0 = jnp.where(iota < pos, I0,
                                        jnp.where(iota == pos, giv, I0s))
                        nL1 = jnp.where(
                            g1 < pos, L1,
                            jnp.where(g1 == pos, kv,
                                      jnp.where(iota == 0, l0last, L1s)))
                        nI1 = jnp.where(
                            g1 < pos, I1,
                            jnp.where(g1 == pos, giv,
                                      jnp.where(iota == 0, i0last, I1s)))
                        nt = _gather16(nL1, full15)
                        nm = m2 & (iota != lanev) & (v < nt)
                        return (nL0, nL1, nI0, nI1, nt, nm)

                    L0, L1, I0, I1, t, _m = lax.while_loop(
                        wcond, wbody, st)
                    return (L0, L1, I0, I1, t)

                L0, L1, I0, I1, t = lax.cond(
                    scal(plsc.all_reduce_population_count(m)) > 0,
                    do_insert, lambda st: st[:5],
                    (L0, L1, I0, I1, t, m))
                return (L0, L1, I0, I1, t, gidx + 16)

            st = carry + (iota + base_int,)
            return lax.fori_loop(0, _NV, vbody, st)[:5]

        def qbody(qi, _):
            q = wid * _QPW + qi
            row = keys_hbm.at[q]
            carry = (jnp.full((16,), INF), jnp.full((16,), INF),
                     jnp.zeros((16,), jnp.int32), jnp.zeros((16,), jnp.int32),
                     jnp.full((16,), INF))
            nxt = pltpu.async_copy(row.at[pl.ds(0, _C)], buf0, sem0)
            for c in range(4):
                cur = nxt
                if c + 1 < 4:
                    nxt = pltpu.async_copy(
                        row.at[pl.ds((c + 1) * _C, _C)],
                        bufs[(c + 1) % 2], sems[(c + 1) % 2])
                cur.wait()
                carry = scan_chunk(carry, bufs[c % 2], c * _C)
            L0, L1, I0, I1, _t = carry
            outb[pl.ds(0, 16)] = I0
            outb[pl.ds(16, 16)] = I1
            pltpu.sync_copy(outb, out_hbm.at[q])
            return 0

        lax.fori_loop(0, _QPW, qbody, 0)

    return sel(keys)


def kernel(x_train, query, K):
    xt16 = x_train.astype(jnp.float16)
    q16 = query.astype(jnp.float16)
    xn16 = (xt16 ** 2).sum(-1)
    qn16 = (q16 ** 2).sum(-1)
    x32 = jnp.pad(xt16.astype(jnp.float32), ((0, _NPAD - _N), (0, 0)))
    xn32 = jnp.concatenate(
        [xn16.astype(jnp.float32),
         jnp.full((_NPAD - _N,), 3.0e38, jnp.float32)])
    q32 = q16.astype(jnp.float32)
    keys = _compute_keys(q32, x32, qn16.astype(jnp.float32)[:, None],
                         xn32[None, :])
    return _sc_select(keys)

# --- scband reference (transcript-rebuilt; emitter-appended) ---
"""Pipeline reference for scband-ebsdexperiment-56925496541961 (READ-ONLY COPY).

The authoritative reference and input builder live on the scoring server;
editing this copy changes nothing except your own understanding.
"""

import jax, jax.numpy as jnp
import numpy as np


def setup_inputs(seed: int = 0) -> dict:
    key = jax.random.key(seed)
    k1, k2 = jax.random.split(key)
    x_train = jax.random.normal(k1, (100000, 128), dtype=jnp.float32)
    query = jax.random.normal(k2, (1024, 128), dtype=jnp.float32)
    return {"x_train": x_train, "query": query, "K": 32}


def reference(x_train, query, K):
    # Faithful port of knn_brute_force / knn_batch with metric='euclidean',
    # match_dtype=float16 (as in the original torch.jit.script code).
    xt = x_train.astype(jnp.float16)
    q = query.astype(jnp.float16)
    x_train_norm = (xt ** 2).sum(-1)
    query_norm = (q ** 2).sum(-1)
    # squared euclidean distance: ||q||^2 + ||x||^2 - 2 q.x^T
    diss = query_norm[:, None] + x_train_norm[None, :] - 2.0 * (q @ xt.T)
    # torch: diss.topk(K, largest=False).indices  -> smallest distances
    neg_vals, idx = jax.lax.top_k(-diss, 32)
    return idx + jnp.asarray(K - K, dtype=idx.dtype)

if __name__ == "__main__":
    import jax
    _d = setup_inputs()
    print(jax.jit(kernel)(*tuple(_d.values())))

</pallas_src>

<mosaic_0001>
#map = affine_map<(d0, d1) -> (0, 0)>
module attributes {stable_mosaic.version = 14 : i64} {
  func.func @sel(%arg0: i32, %arg1: i32, %arg2: memref<1024x100352xi32, #tpu.memory_space<hbm>>, %arg3: memref<1024x32xi32, #tpu.memory_space<hbm>>, %arg4: memref<25088xi32, #tpu.memory_space<vmem>>, %arg5: memref<25088xi32, #tpu.memory_space<vmem>>, %arg6: memref<32xi32, #tpu.memory_space<vmem>>, %arg7: memref<!tpu.dma_semaphore, #tpu.memory_space<semaphore_mem>>, %arg8: memref<!tpu.dma_semaphore, #tpu.memory_space<semaphore_mem>>) attributes {dimension_semantics = [#tpu.dimension_semantics<core_parallel>, #tpu.dimension_semantics<subcore_parallel>], iteration_bounds = array<i64: 2, 16>, scalar_prefetch = 0 : i64, scratch_operands = 5 : i64, tpu.core_type = #tpu.core_type<sc_vector_subcore>, window_params = [{transform_indices = #map}, {transform_indices = #map}]} {
    %mul3A = arith.constant 2 : i32
    %mul3A_0 = arith.muli %arg1, %mul3A : i32
    %add3A = arith.addi %mul3A_0, %arg0 : i32
    %iota3A = tpu.iota {dimensions = array<i32: 0>} : vector<16xi32>
    %broadcast_in_dim3A = arith.constant 15 : i32
    %broadcast_in_dim3A_1 = vector.broadcast %broadcast_in_dim3A : i32 to vector<16xi32>
    %scan3A = arith.constant 2147483647 : i32
    %scan3A_2 = arith.constant 0 : i32
    %scan3A_3 = arith.constant 0 : i32
    %scan3A_4 = arith.constant 32 : i32
    %scan3A_5 = arith.addi %scan3A_3, %scan3A_4 : i32
    %scan3A_6 = arith.constant 1 : i32
    %scan3A_7 = scf.for %scan3A_9 = %scan3A_3 to %scan3A_5 step %scan3A_6 iter_args(%scan3A_10 = %scan3A_2) -> (i32)  : i32 {
      %mul3A_11 = arith.constant 32 : i32
      %mul3A_12 = arith.muli %add3A, %mul3A_11 : i32
      %add3A_13 = arith.addi %mul3A_12, %scan3A_9 : i32
      %broadcast_in_dim3A_14 = vector.broadcast %scan3A : i32 to vector<16xi32>
      %broadcast_in_dim3A_15 = vector.broadcast %scan3A : i32 to vector<16xi32>
      %broadcast_in_dim3A_16 = arith.constant 0 : i32
      %broadcast_in_dim3A_17 = vector.broadcast %broadcast_in_dim3A_16 : i32 to vector<16xi32>
      %broadcast_in_dim3A_18 = arith.constant 0 : i32
      %broadcast_in_dim3A_19 = vector.broadcast %broadcast_in_dim3A_18 : i32 to vector<16xi32>
      %broadcast_in_dim3A_20 = vector.broadcast %scan3A : i32 to vector<16xi32>
      %dma_start3A = arith.constant 0 : i32
      %dma_start3A_21 = tpu.memref_slice %arg2[%add3A_13, %dma_start3A] : memref<1024x100352xi32, #tpu.memory_space<hbm>> -> memref<1x100352xi32, #tpu.memory_space<hbm>>
      %dma_start3A_22 = tpu.memref_squeeze %dma_start3A_21 : memref<1x100352xi32, #tpu.memory_space<hbm>> -> memref<100352xi32, #tpu.memory_space<hbm>>
      %dma_start3A_23 = arith.constant 0 : i32
      %dma_start3A_24 = tpu.memref_slice %dma_start3A_22[%dma_start3A_23] : memref<100352xi32, #tpu.memory_space<hbm>> -> memref<25088xi32, #tpu.memory_space<hbm>>
      %dma_start3A_25 = arith.constant 0 : i32
      %dma_start3A_26 = tpu.memref_slice %arg2[%add3A_13, %dma_start3A_25] : memref<1024x100352xi32, #tpu.memory_space<hbm>> -> memref<1x100352xi32, #tpu.memory_space<hbm>>
      %dma_start3A_27 = tpu.memref_squeeze %dma_start3A_26 : memref<1x100352xi32, #tpu.memory_space<hbm>> -> memref<100352xi32, #tpu.memory_space<hbm>>
      %dma_start3A_28 = arith.constant 0 : i32
      %dma_start3A_29 = tpu.memref_slice %dma_start3A_27[%dma_start3A_28] : memref<100352xi32, #tpu.memory_space<hbm>> -> memref<25088xi32, #tpu.memory_space<hbm>>
      tpu.enqueue_dma source(%dma_start3A_29 : memref<25088xi32, #tpu.memory_space<hbm>>) target(%arg4 : memref<25088xi32, #tpu.memory_space<vmem>>) target_semaphore(%arg7 : memref<!tpu.dma_semaphore, #tpu.memory_space<semaphore_mem>>)
      %dma_start3A_30 = arith.constant 0 : i32
      %dma_start3A_31 = tpu.memref_slice %arg2[%add3A_13, %dma_start3A_30] : memref<1024x100352xi32, #tpu.memory_space<hbm>> -> memref<1x100352xi32, #tpu.memory_space<hbm>>
      %dma_start3A_32 = tpu.memref_squeeze %dma_start3A_31 : memref<1x100352xi32, #tpu.memory_space<hbm>> -> memref<100352xi32, #tpu.memory_space<hbm>>
      %dma_start3A_33 = arith.constant 25088 : i32
      %dma_start3A_34 = tpu.memref_slice %dma_start3A_32[%dma_start3A_33] : memref<100352xi32, #tpu.memory_space<hbm>> -> memref<25088xi32, #tpu.memory_space<hbm>>
      %dma_start3A_35 = arith.constant 0 : i32
      %dma_start3A_36 = tpu.memref_slice %arg2[%add3A_13, %dma_start3A_35] : memref<1024x100352xi32, #tpu.memory_space<hbm>> -> memref<1x100352xi32, #tpu.memory_space<hbm>>
      %dma_start3A_37 = tpu.memref_squeeze %dma_start3A_36 : memref<1x100352xi32, #tpu.memory_space<hbm>> -> memref<100352xi32, #tpu.memory_space<hbm>>
      %dma_start3A_38 = arith.constant 25088 : i32
      %dma_start3A_39 = tpu.memref_slice %dma_start3A_37[%dma_start3A_38] : memref<100352xi32, #tpu.memory_space<hbm>> -> memref<25088xi32, #tpu.memory_space<hbm>>
      tpu.enqueue_dma source(%dma_start3A_39 : memref<25088xi32, #tpu.memory_space<hbm>>) target(%arg5 : memref<25088xi32, #tpu.memory_space<vmem>>) target_semaphore(%arg8 : memref<!tpu.dma_semaphore, #tpu.memory_space<semaphore_mem>>)
      %dma_wait3A = arith.constant 0 : i32
      %dma_wait3A_40 = tpu.memref_slice %arg2[%add3A_13, %dma_wait3A] : memref<1024x100352xi32, #tpu.memory_space<hbm>> -> memref<1x100352xi32, #tpu.memory_space<hbm>>
      %dma_wait3A_41 = tpu.memref_squeeze %dma_wait3A_40 : memref<1x100352xi32, #tpu.memory_space<hbm>> -> memref<100352xi32, #tpu.memory_space<hbm>>
      %dma_wait3A_42 = arith.constant 0 : i32
      %dma_wait3A_43 = tpu.memref_slice %dma_wait3A_41[%dma_wait3A_42] : memref<100352xi32, #tpu.memory_space<hbm>> -> memref<25088xi32, #tpu.memory_space<hbm>>
      %dma_wait3A_44 = arith.constant 0 : i32
      %dma_wait3A_45 = tpu.memref_slice %arg2[%add3A_13, %dma_wait3A_44] : memref<1024x100352xi32, #tpu.memory_space<hbm>> -> memref<1x100352xi32, #tpu.memory_space<hbm>>
      %dma_wait3A_46 = tpu.memref_squeeze %dma_wait3A_45 : memref<1x100352xi32, #tpu.memory_space<hbm>> -> memref<100352xi32, #tpu.memory_space<hbm>>
      %dma_wait3A_47 = arith.constant 0 : i32
      %dma_wait3A_48 = tpu.memref_slice %dma_wait3A_46[%dma_wait3A_47] : memref<100352xi32, #tpu.memory_space<hbm>> -> memref<25088xi32, #tpu.memory_space<hbm>>
      tpu.wait_dma2 semaphore(%arg7 : memref<!tpu.dma_semaphore, #tpu.memory_space<semaphore_mem>>) src(%dma_wait3A_48 : memref<25088xi32, #tpu.memory_space<hbm>>) dst(%arg4 : memref<25088xi32, #tpu.memory_space<vmem>>)
      %add3A_49 = arith.constant 0 : i32
      %add3A_50 = vector.broadcast %add3A_49 : i32 to vector<16xi32>
      %add3A_51 = arith.addi %iota3A, %add3A_50 : vector<16xi32>
      %scan3A_52 = arith.constant 0 : i32
      %scan3A_53 = arith.constant 1568 : i32
      %scan3A_54 = arith.addi %scan3A_52, %scan3A_53 : i32
      %scan3A_55 = arith.constant 1 : i32
      %scan3A_56:6 = scf.for %scan3A_139 = %scan3A_52 to %scan3A_54 step %scan3A_55 iter_args(%scan3A_140 = %broadcast_in_dim3A_14, %scan3A_141 = %broadcast_in_dim3A_15, %scan3A_142 = %broadcast_in_dim3A_17, %scan3A_143 = %broadcast_in_dim3A_19, %scan3A_144 = %broadcast_in_dim3A_20, %scan3A_145 = %add3A_51) -> (vector<16xi32>, vector<16xi32>, vector<16xi32>, vector<16xi32>, vector<16xi32>, vector<16xi32>)  : i32 {
        %mul3A_146 = arith.constant 16 : i32
        %mul3A_147 = arith.muli %scan3A_139, %mul3A_146 : i32
        %get3A = arith.index_cast %mul3A_147 : i32 to index
        %get3A_148 = tpu.vector_load %arg4[%get3A] {strides = array<i32>} : memref<25088xi32, #tpu.memory_space<vmem>>, vector<16xi32>,
        %lt3A = arith.cmpi slt, %get3A_148, %scan3A_144 : vector<16xi32>
        %all_reduce_population_count3A = tpu.all_reduce %lt3A {dim = 0 : i64, kind = #tpu.reduction_kind<sum>} : vector<16xi1> -> vector<16xi32>
        %slice3A = vector.extract_strided_slice %all_reduce_population_count3A {offsets = [0], sizes = [1], strides = [1]} : vector<16xi32> to vector<1xi32>
        %squeeze3A = vector.extract %slice3A[0] : i32 from vector<1xi32>
        %gt3A = arith.constant 0 : i32
        %gt3A_149 = arith.cmpi sgt, %squeeze3A, %gt3A : i32
        %convert_element_type3A = arith.extui %gt3A_149 : i1 to i32
        %cond3A = arith.constant 0 : i32
        %cond3A_150 = arith.cmpi ne, %convert_element_type3A, %cond3A : i32
        %cond3A_151:5 = scf.if %cond3A_150 -> (vector<16xi32>, vector<16xi32>, vector<16xi32>, vector<16xi32>, vector<16xi32>) {
          %while3A:6 = scf.while (%while3A_155 = %scan3A_140, %while3A_156 = %scan3A_141, %while3A_157 = %scan3A_142, %while3A_158 = %scan3A_143, %while3A_159 = %scan3A_144, %while3A_160 = %lt3A) : (vector<16xi32>, vector<16xi32>, vector<16xi32>, vector<16xi32>, vector<16xi32>, vector<16xi1>) -> (vector<16xi32>, vector<16xi32>, vector<16xi32>, vector<16xi32>, vector<16xi32>, vector<16xi1>) {
            %all_reduce_population_count3A_161 = tpu.all_reduce %while3A_160 {dim = 0 : i64, kind = #tpu.reduction_kind<sum>} : vector<16xi1> -> vector<16xi32>
            %slice3A_162 = vector.extract_strided_slice %all_reduce_population_count3A_161 {offsets = [0], sizes = [1], strides = [1]} : vector<16xi32> to vector<1xi32>
            %squeeze3A_163 = vector.extract %slice3A_162[0] : i32 from vector<1xi32>
            %gt3A_164 = arith.constant 0 : i32
            %gt3A_165 = arith.cmpi sgt, %squeeze3A_163, %gt3A_164 : i32
            scf.condition(%gt3A_165) %while3A_155, %while3A_156, %while3A_157, %while3A_158, %while3A_159, %while3A_160 : vector<16xi32>, vector<16xi32>, vector<16xi32>, vector<16xi32>, vector<16xi32>, vector<16xi1>
          } do {
          ^bb0(%while3A_155: vector<16xi32>, %while3A_156: vector<16xi32>, %while3A_157: vector<16xi32>, %while3A_158: vector<16xi32>, %while3A_159: vector<16xi32>, %while3A_160: vector<16xi1>):
            %all_reduce_ffs3A = tpu.all_reduce %while3A_160 {dim = 0 : i64, kind = #tpu.reduction_kind<find_first_set>} : vector<16xi1> -> vector<16xi32>
            %broadcast_in_dim3A_161 = vector.shape_cast %all_reduce_ffs3A : vector<16xi32> to vector<16x1xi32>
            %gather3A = vector.shape_cast %broadcast_in_dim3A_161 : vector<16x1xi32> to vector<16xi32>
            %gather3A_162 = tpu.dynamic_gather %get3A_148[%gather3A] in [0] : vector<16xi32>, vector<16xi32> -> vector<16xi32>
            %broadcast_in_dim3A_163 = vector.shape_cast %all_reduce_ffs3A : vector<16xi32> to vector<16x1xi32>
            %gather3A_164 = vector.shape_cast %broadcast_in_dim3A_163 : vector<16x1xi32> to vector<16xi32>
            %gather3A_165 = tpu.dynamic_gather %scan3A_145[%gather3A_164] in [0] : vector<16xi32>, vector<16xi32> -> vector<16xi32>
            %le3A = arith.cmpi sle, %while3A_155, %gather3A_162 : vector<16xi32>
            %all_reduce_population_count3A_166 = tpu.all_reduce %le3A {dim = 0 : i64, kind = #tpu.reduction_kind<sum>} : vector<16xi1> -> vector<16xi32>
            %le3A_167 = arith.cmpi sle, %while3A_156, %gather3A_162 : vector<16xi32>
            %all_reduce_population_count3A_168 = tpu.all_reduce %le3A_167 {dim = 0 : i64, kind = #tpu.reduction_kind<sum>} : vector<16xi1> -> vector<16xi32>
            %add3A_169 = arith.addi %all_reduce_population_count3A_166, %all_reduce_population_count3A_168 : vector<16xi32>
            %sub3A = arith.constant 1 : i32
            %sub3A_170 = vector.broadcast %sub3A : i32 to vector<16xi32>
            %sub3A_171 = arith.subi %iota3A, %sub3A_170 : vector<16xi32>
            %max3A = arith.constant 0 : i32
            %max3A_172 = vector.broadcast %max3A : i32 to vector<16xi32>
            %max3A_173 = arith.maxsi %sub3A_171, %max3A_172 : vector<16xi32>
            %broadcast_in_dim3A_174 = vector.shape_cast %max3A_173 : vector<16xi32> to vector<16x1xi32>
            %gather3A_175 = vector.shape_cast %broadcast_in_dim3A_174 : vector<16x1xi32> to vector<16xi32>
            %gather3A_176 = tpu.dynamic_gather %while3A_155[%gather3A_175] in [0] : vector<16xi32>, vector<16xi32> -> vector<16xi32>
            %broadcast_in_dim3A_177 = vector.shape_cast %max3A_173 : vector<16xi32> to vector<16x1xi32>
            %gather3A_178 = vector.shape_cast %broadcast_in_dim3A_177 : vector<16x1xi32> to vector<16xi32>
            %gather3A_179 = tpu.dynamic_gather %while3A_156[%gather3A_178] in [0] : vector<16xi32>, vector<16xi32> -> vector<16xi32>
            %broadcast_in_dim3A_180 = vector.shape_cast %max3A_173 : vector<16xi32> to vector<16x1xi32>
            %gather3A_181 = vector.shape_cast %broadcast_in_dim3A_180 : vector<16x1xi32> to vector<16xi32>
            %gather3A_182 = tpu.dynamic_gather %while3A_157[%gather3A_181] in [0] : vector<16xi32>, vector<16xi32> -> vector<16xi32>
            %broadcast_in_dim3A_183 = vector.shape_cast %max3A_173 : vector<16xi32> to vector<16x1xi32>
            %gather3A_184 = vector.shape_cast %broadcast_in_dim3A_183 : vector<16x1xi32> to vector<16xi32>
            %gather3A_185 = tpu.dynamic_gather %while3A_158[%gather3A_184] in [0] : vector<16xi32>, vector<16xi32> -> vector<16xi32>
            %broadcast_in_dim3A_186 = vector.shape_cast %broadcast_in_dim3A_1 : vector<16xi32> to vector<16x1xi32>
            %gather3A_187 = vector.shape_cast %broadcast_in_dim3A_186 : vector<16x1xi32> to vector<16xi32>
            %gather3A_188 = tpu.dynamic_gather %while3A_155[%gather3A_187] in [0] : vector<16xi32>, vector<16xi32> -> vector<16xi32>
            %broadcast_in_dim3A_189 = vector.shape_cast %broadcast_in_dim3A_1 : vector<16xi32> to vector<16x1xi32>
            %gather3A_190 = vector.shape_cast %broadcast_in_dim3A_189 : vector<16x1xi32> to vector<16xi32>
            %gather3A_191 = tpu.dynamic_gather %while3A_157[%gather3A_190] in [0] : vector<16xi32>, vector<16xi32> -> vector<16xi32>
            %add3A_192 = arith.constant 16 : i32
            %add3A_193 = vector.broadcast %add3A_192 : i32 to vector<16xi32>
            %add3A_194 = arith.addi %iota3A, %add3A_193 : vector<16xi32>
            %lt3A_195 = arith.cmpi slt, %iota3A, %add3A_169 : vector<16xi32>
            %eq3A = arith.cmpi eq, %iota3A, %add3A_169 : vector<16xi32>
            %select_n3A = arith.select %eq3A, %gather3A_162, %gather3A_176 : vector<16xi1>, vector<16xi32>
            %select_n3A_196 = arith.select %lt3A_195, %while3A_155, %select_n3A : vector<16xi1>, vector<16xi32>
            %lt3A_197 = arith.cmpi slt, %iota3A, %add3A_169 : vector<16xi32>
            %eq3A_198 = arith.cmpi eq, %iota3A, %add3A_169 : vector<16xi32>
            %select_n3A_199 = arith.select %eq3A_198, %gather3A_165, %gather3A_182 : vector<16xi1>, vector<16xi32>
            %select_n3A_200 = arith.select %lt3A_197, %while3A_157, %select_n3A_199 : vector<16xi1>, vector<16xi32>
            %lt3A_201 = arith.cmpi slt, %add3A_194, %add3A_169 : vector<16xi32>
            %eq3A_202 = arith.cmpi eq, %add3A_194, %add3A_169 : vector<16xi32>
            %eq3A_203 = arith.constant 0 : i32
            %eq3A_204 = vector.broadcast %eq3A_203 : i32 to vector<16xi32>
            %eq3A_205 = arith.cmpi eq, %iota3A, %eq3A_204 : vector<16xi32>
            %select_n3A_206 = arith.select %eq3A_205, %gather3A_188, %gather3A_179 : vector<16xi1>, vector<16xi32>
            %select_n3A_207 = arith.select %eq3A_202, %gather3A_162, %select_n3A_206 : vector<16xi1>, vector<16xi32>
            %select_n3A_208 = arith.select %lt3A_201, %while3A_156, %select_n3A_207 : vector<16xi1>, vector<16xi32>
            %lt3A_209 = arith.cmpi slt, %add3A_194, %add3A_169 : vector<16xi32>
            %eq3A_210 = arith.cmpi eq, %add3A_194, %add3A_169 : vector<16xi32>
            %eq3A_211 = arith.constant 0 : i32
            %eq3A_212 = vector.broadcast %eq3A_211 : i32 to vector<16xi32>
            %eq3A_213 = arith.cmpi eq, %iota3A, %eq3A_212 : vector<16xi32>
            %select_n3A_214 = arith.select %eq3A_213, %gather3A_191, %gather3A_185 : vector<16xi1>, vector<16xi32>
            %select_n3A_215 = arith.select %eq3A_210, %gather3A_165, %select_n3A_214 : vector<16xi1>, vector<16xi32>
            %select_n3A_216 = arith.select %lt3A_209, %while3A_158, %select_n3A_215 : vector<16xi1>, vector<16xi32>
            %broadcast_in_dim3A_217 = vector.shape_cast %broadcast_in_dim3A_1 : vector<16xi32> to vector<16x1xi32>
            %gather3A_218 = vector.shape_cast %broadcast_in_dim3A_217 : vector<16x1xi32> to vector<16xi32>
            %gather3A_219 = tpu.dynamic_gather %select_n3A_208[%gather3A_218] in [0] : vector<16xi32>, vector<16xi32> -> vector<16xi32>
            %ne3A = arith.cmpi ne, %iota3A, %all_reduce_ffs3A : vector<16xi32>
            %and3A = arith.andi %while3A_160, %ne3A : vector<16xi1>
            %lt3A_220 = arith.cmpi slt, %get3A_148, %gather3A_219 : vector<16xi32>
            %and3A_221 = arith.andi %and3A, %lt3A_220 : vector<16xi1>
            scf.yield %select_n3A_196, %select_n3A_208, %select_n3A_200, %select_n3A_216, %gather3A_219, %and3A_221 : vector<16xi32>, vector<16xi32>, vector<16xi32>, vector<16xi32>, vector<16xi32>, vector<16xi1>
          }
          scf.yield %while3A#0, %while3A#1, %while3A#2, %while3A#3, %while3A#4 : vector<16xi32>, vector<16xi32>, vector<16xi32>, vector<16xi32>, vector<16xi32>
        } else {
          scf.yield %scan3A_140, %scan3A_141, %scan3A_142, %scan3A_143, %scan3A_144 : vector<16xi32>, vector<16xi32>, vector<16xi32>, vector<16xi32>, vector<16xi32>
        }
        %add3A_152 = arith.constant 16 : i32
        %add3A_153 = vector.broadcast %add3A_152 : i32 to vector<16xi32>
        %add3A_154 = arith.addi %scan3A_145, %add3A_153 : vector<16xi32>
        scf.yield %cond3A_151#0, %cond3A_151#1, %cond3A_151#2, %cond3A_151#3, %cond3A_151#4, %add3A_154 : vector<16xi32>, vector<16xi32>, vector<16xi32>, vector<16xi32>, vector<16xi32>, vector<16xi32>
      }
      %scan3A_57 = arith.constant 1568 : i32
      %dma_start3A_58 = arith.constant 0 : i32
      %dma_start3A_59 = tpu.memref_slice %arg2[%add3A_13, %dma_start3A_58] : memref<1024x100352xi32, #tpu.memory_space<hbm>> -> memref<1x100352xi32, #tpu.memory_space<hbm>>
      %dma_start3A_60 = tpu.memref_squeeze %dma_start3A_59 : memref<1x100352xi32, #tpu.memory_space<hbm>> -> memref<100352xi32, #tpu.memory_space<hbm>>
      %dma_start3A_61 = arith.constant 50176 : i32
      %dma_start3A_62 = tpu.memref_slice %dma_start3A_60[%dma_start3A_61] : memref<100352xi32, #tpu.memory_space<hbm>> -> memref<25088xi32, #tpu.memory_space<hbm>>
      %dma_start3A_63 = arith.constant 0 : i32
      %dma_start3A_64 = tpu.memref_slice %arg2[%add3A_13, %dma_start3A_63] : memref<1024x100352xi32, #tpu.memory_space<hbm>> -> memref<1x100352xi32, #tpu.memory_space<hbm>>
      %dma_start3A_65 = tpu.memref_squeeze %dma_start3A_64 : memref<1x100352xi32, #tpu.memory_space<hbm>> -> memref<100352xi32, #tpu.memory_space<hbm>>
      %dma_start3A_66 = arith.constant 50176 : i32
      %dma_start3A_67 = tpu.memref_slice %dma_start3A_65[%dma_start3A_66] : memref<100352xi32, #tpu.memory_space<hbm>> -> memref<25088xi32, #tpu.memory_space<hbm>>
      tpu.enqueue_dma source(%dma_start3A_67 : memref<25088xi32, #tpu.memory_space<hbm>>) target(%arg4 : memref<25088xi32, #tpu.memory_space<vmem>>) target_semaphore(%arg7 : memref<!tpu.dma_semaphore, #tpu.memory_space<semaphore_mem>>)
      %dma_wait3A_68 = arith.constant 0 : i32
      %dma_wait3A_69 = tpu.memref_slice %arg2[%add3A_13, %dma_wait3A_68] : memref<1024x100352xi32, #tpu.memory_space<hbm>> -> memref<1x100352xi32, #tpu.memory_space<hbm>>
      %dma_wait3A_70 = tpu.memref_squeeze %dma_wait3A_69 : memref<1x100352xi32, #tpu.memory_space<hbm>> -> memref<100352xi32, #tpu.memory_space<hbm>>
      %dma_wait3A_71 = arith.constant 25088 : i32
      %dma_wait3A_72 = tpu.memref_slice %dma_wait3A_70[%dma_wait3A_71] : memref<100352xi32, #tpu.memory_space<hbm>> -> memref<25088xi32, #tpu.memory_space<hbm>>
      %dma_wait3A_73 = arith.constant 0 : i32
      %dma_wait3A_74 = tpu.memref_slice %arg2[%add3A_13, %dma_wait3A_73] : memref<1024x100352xi32, #tpu.memory_space<hbm>> -> memref<1x100352xi32, #tpu.memory_space<hbm>>
      %dma_wait3A_75 = tpu.memref_squeeze %dma_wait3A_74 : memref<1x100352xi32, #tpu.memory_space<hbm>> -> memref<100352xi32, #tpu.memory_space<hbm>>
      %dma_wait3A_76 = arith.constant 25088 : i32
      %dma_wait3A_77 = tpu.memref_slice %dma_wait3A_75[%dma_wait3A_76] : memref<100352xi32, #tpu.memory_space<hbm>> -> memref<25088xi32, #tpu.memory_space<hbm>>
      tpu.wait_dma2 semaphore(%arg8 : memref<!tpu.dma_semaphore, #tpu.memory_space<semaphore_mem>>) src(%dma_wait3A_77 : memref<25088xi32, #tpu.memory_space<hbm>>) dst(%arg5 : memref<25088xi32, #tpu.memory_space<vmem>>)
      %add3A_78 = arith.constant 25088 : i32
      %add3A_79 = vector.broadcast %add3A_78 : i32 to vector<16xi32>
      %add3A_80 = arith.addi %iota3A, %add3A_79 : vector<16xi32>
      %scan3A_81 = arith.constant 0 : i32
      %scan3A_82 = arith.constant 1568 : i32
      %scan3A_83 = arith.addi %scan3A_81, %scan3A_82 : i32
      %scan3A_84 = arith.constant 1 : i32
      %scan3A_85:6 = scf.for %scan3A_139 = %scan3A_81 to %scan3A_83 step %scan3A_84 iter_args(%scan3A_140 = %scan3A_56#0, %scan3A_141 = %scan3A_56#1, %scan3A_142 = %scan3A_56#2, %scan3A_143 = %scan3A_56#3, %scan3A_144 = %scan3A_56#4, %scan3A_145 = %add3A_80) -> (vector<16xi32>, vector<16xi32>, vector<16xi32>, vector<16xi32>, vector<16xi32>, vector<16xi32>)  : i32 {
        %mul3A_146 = arith.constant 16 : i32
        %mul3A_147 = arith.muli %scan3A_139, %mul3A_146 : i32
        %get3A = arith.index_cast %mul3A_147 : i32 to index
        %get3A_148 = tpu.vector_load %arg5[%get3A] {strides = array<i32>} : memref<25088xi32, #tpu.memory_space<vmem>>, vector<16xi32>,
        %lt3A = arith.cmpi slt, %get3A_148, %scan3A_144 : vector<16xi32>
        %all_reduce_population_count3A = tpu.all_reduce %lt3A {dim = 0 : i64, kind = #tpu.reduction_kind<sum>} : vector<16xi1> -> vector<16xi32>
        %slice3A = vector.extract_strided_slice %all_reduce_population_count3A {offsets = [0], sizes = [1], strides = [1]} : vector<16xi32> to vector<1xi32>
        %squeeze3A = vector.extract %slice3A[0] : i32 from vector<1xi32>
        %gt3A = arith.constant 0 : i32
        %gt3A_149 = arith.cmpi sgt, %squeeze3A, %gt3A : i32
        %convert_element_type3A = arith.extui %gt3A_149 : i1 to i32
        %cond3A = arith.constant 0 : i32
        %cond3A_150 = arith.cmpi ne, %convert_element_type3A, %cond3A : i32
        %cond3A_151:5 = scf.if %cond3A_150 -> (vector<16xi32>, vector<16xi32>, vector<16xi32>, vector<16xi32>, vector<16xi32>) {
          %while3A:6 = scf.while (%while3A_155 = %scan3A_140, %while3A_156 = %scan3A_141, %while3A_157 = %scan3A_142, %while3A_158 = %scan3A_143, %while3A_159 = %scan3A_144, %while3A_160 = %lt3A) : (vector<16xi32>, vector<16xi32>, vector<16xi32>, vector<16xi32>, vector<16xi32>, vector<16xi1>) -> (vector<16xi32>, vector<16xi32>, vector<16xi32>, vector<16xi32>, vector<16xi32>, vector<16xi1>) {
            %all_reduce_population_count3A_161 = tpu.all_reduce %while3A_160 {dim = 0 : i64, kind = #tpu.reduction_kind<sum>} : vector<16xi1> -> vector<16xi32>
            %slice3A_162 = vector.extract_strided_slice %all_reduce_population_count3A_161 {offsets = [0], sizes = [1], strides = [1]} : vector<16xi32> to vector<1xi32>
            %squeeze3A_163 = vector.extract %slice3A_162[0] : i32 from vector<1xi32>
            %gt3A_164 = arith.constant 0 : i32
            %gt3A_165 = arith.cmpi sgt, %squeeze3A_163, %gt3A_164 : i32
            scf.condition(%gt3A_165) %while3A_155, %while3A_156, %while3A_157, %while3A_158, %while3A_159, %while3A_160 : vector<16xi32>, vector<16xi32>, vector<16xi32>, vector<16xi32>, vector<16xi32>, vector<16xi1>
          } do {
          ^bb0(%while3A_155: vector<16xi32>, %while3A_156: vector<16xi32>, %while3A_157: vector<16xi32>, %while3A_158: vector<16xi32>, %while3A_159: vector<16xi32>, %while3A_160: vector<16xi1>):
            %all_reduce_ffs3A = tpu.all_reduce %while3A_160 {dim = 0 : i64, kind = #tpu.reduction_kind<find_first_set>} : vector<16xi1> -> vector<16xi32>
            %broadcast_in_dim3A_161 = vector.shape_cast %all_reduce_ffs3A : vector<16xi32> to vector<16x1xi32>
            %gather3A = vector.shape_cast %broadcast_in_dim3A_161 : vector<16x1xi32> to vector<16xi32>
            %gather3A_162 = tpu.dynamic_gather %get3A_148[%gather3A] in [0] : vector<16xi32>, vector<16xi32> -> vector<16xi32>
            %broadcast_in_dim3A_163 = vector.shape_cast %all_reduce_ffs3A : vector<16xi32> to vector<16x1xi32>
            %gather3A_164 = vector.shape_cast %broadcast_in_dim3A_163 : vector<16x1xi32> to vector<16xi32>
            %gather3A_165 = tpu.dynamic_gather %scan3A_145[%gather3A_164] in [0] : vector<16xi32>, vector<16xi32> -> vector<16xi32>
            %le3A = arith.cmpi sle, %while3A_155, %gather3A_162 : vector<16xi32>
            %all_reduce_population_count3A_166 = tpu.all_reduce %le3A {dim = 0 : i64, kind = #tpu.reduction_kind<sum>} : vector<16xi1> -> vector<16xi32>
            %le3A_167 = arith.cmpi sle, %while3A_156, %gather3A_162 : vector<16xi32>
            %all_reduce_population_count3A_168 = tpu.all_reduce %le3A_167 {dim = 0 : i64, kind = #tpu.reduction_kind<sum>} : vector<16xi1> -> vector<16xi32>
            %add3A_169 = arith.addi %all_reduce_population_count3A_166, %all_reduce_population_count3A_168 : vector<16xi32>
            %sub3A = arith.constant 1 : i32
            %sub3A_170 = vector.broadcast %sub3A : i32 to vector<16xi32>
            %sub3A_171 = arith.subi %iota3A, %sub3A_170 : vector<16xi32>
            %max3A = arith.constant 0 : i32
            %max3A_172 = vector.broadcast %max3A : i32 to vector<16xi32>
            %max3A_173 = arith.maxsi %sub3A_171, %max3A_172 : vector<16xi32>
            %broadcast_in_dim3A_174 = vector.shape_cast %max3A_173 : vector<16xi32> to vector<16x1xi32>
            %gather3A_175 = vector.shape_cast %broadcast_in_dim3A_174 : vector<16x1xi32> to vector<16xi32>
            %gather3A_176 = tpu.dynamic_gather %while3A_155[%gather3A_175] in [0] : vector<16xi32>, vector<16xi32> -> vector<16xi32>
            %broadcast_in_dim3A_177 = vector.shape_cast %max3A_173 : vector<16xi32> to vector<16x1xi32>
            %gather3A_178 = vector.shape_cast %broadcast_in_dim3A_177 : vector<16x1xi32> to vector<16xi32>
            %gather3A_179 = tpu.dynamic_gather %while3A_156[%gather3A_178] in [0] : vector<16xi32>, vector<16xi32> -> vector<16xi32>
            %broadcast_in_dim3A_180 = vector.shape_cast %max3A_173 : vector<16xi32> to vector<16x1xi32>
            %gather3A_181 = vector.shape_cast %broadcast_in_dim3A_180 : vector<16x1xi32> to vector<16xi32>
            %gather3A_182 = tpu.dynamic_gather %while3A_157[%gather3A_181] in [0] : vector<16xi32>, vector<16xi32> -> vector<16xi32>
            %broadcast_in_dim3A_183 = vector.shape_cast %max3A_173 : vector<16xi32> to vector<16x1xi32>
            %gather3A_184 = vector.shape_cast %broadcast_in_dim3A_183 : vector<16x1xi32> to vector<16xi32>
            %gather3A_185 = tpu.dynamic_gather %while3A_158[%gather3A_184] in [0] : vector<16xi32>, vector<16xi32> -> vector<16xi32>
            %broadcast_in_dim3A_186 = vector.shape_cast %broadcast_in_dim3A_1 : vector<16xi32> to vector<16x1xi32>
            %gather3A_187 = vector.shape_cast %broadcast_in_dim3A_186 : vector<16x1xi32> to vector<16xi32>
            %gather3A_188 = tpu.dynamic_gather %while3A_155[%gather3A_187] in [0] : vector<16xi32>, vector<16xi32> -> vector<16xi32>
            %broadcast_in_dim3A_189 = vector.shape_cast %broadcast_in_dim3A_1 : vector<16xi32> to vector<16x1xi32>
            %gather3A_190 = vector.shape_cast %broadcast_in_dim3A_189 : vector<16x1xi32> to vector<16xi32>
            %gather3A_191 = tpu.dynamic_gather %while3A_157[%gather3A_190] in [0] : vector<16xi32>, vector<16xi32> -> vector<16xi32>
            %add3A_192 = arith.constant 16 : i32
            %add3A_193 = vector.broadcast %add3A_192 : i32 to vector<16xi32>
            %add3A_194 = arith.addi %iota3A, %add3A_193 : vector<16xi32>
            %lt3A_195 = arith.cmpi slt, %iota3A, %add3A_169 : vector<16xi32>
            %eq3A = arith.cmpi eq, %iota3A, %add3A_169 : vector<16xi32>
            %select_n3A = arith.select %eq3A, %gather3A_162, %gather3A_176 : vector<16xi1>, vector<16xi32>
            %select_n3A_196 = arith.select %lt3A_195, %while3A_155, %select_n3A : vector<16xi1>, vector<16xi32>
            %lt3A_197 = arith.cmpi slt, %iota3A, %add3A_169 : vector<16xi32>
            %eq3A_198 = arith.cmpi eq, %iota3A, %add3A_169 : vector<16xi32>
            %select_n3A_199 = arith.select %eq3A_198, %gather3A_165, %gather3A_182 : vector<16xi1>, vector<16xi32>
            %select_n3A_200 = arith.select %lt3A_197, %while3A_157, %select_n3A_199 : vector<16xi1>, vector<16xi32>
            %lt3A_201 = arith.cmpi slt, %add3A_194, %add3A_169 : vector<16xi32>
            %eq3A_202 = arith.cmpi eq, %add3A_194, %add3A_169 : vector<16xi32>
            %eq3A_203 = arith.constant 0 : i32
            %eq3A_204 = vector.broadcast %eq3A_203 : i32 to vector<16xi32>
            %eq3A_205 = arith.cmpi eq, %iota3A, %eq3A_204 : vector<16xi32>
            %select_n3A_206 = arith.select %eq3A_205, %gather3A_188, %gather3A_179 : vector<16xi1>, vector<16xi32>
            %select_n3A_207 = arith.select %eq3A_202, %gather3A_162, %select_n3A_206 : vector<16xi1>, vector<16xi32>
            %select_n3A_208 = arith.select %lt3A_201, %while3A_156, %select_n3A_207 : vector<16xi1>, vector<16xi32>
            %lt3A_209 = arith.cmpi slt, %add3A_194, %add3A_169 : vector<16xi32>
            %eq3A_210 = arith.cmpi eq, %add3A_194, %add3A_169 : vector<16xi32>
            %eq3A_211 = arith.constant 0 : i32
            %eq3A_212 = vector.broadcast %eq3A_211 : i32 to vector<16xi32>
            %eq3A_213 = arith.cmpi eq, %iota3A, %eq3A_212 : vector<16xi32>
            %select_n3A_214 = arith.select %eq3A_213, %gather3A_191, %gather3A_185 : vector<16xi1>, vector<16xi32>
            %select_n3A_215 = arith.select %eq3A_210, %gather3A_165, %select_n3A_214 : vector<16xi1>, vector<16xi32>
            %select_n3A_216 = arith.select %lt3A_209, %while3A_158, %select_n3A_215 : vector<16xi1>, vector<16xi32>
            %broadcast_in_dim3A_217 = vector.shape_cast %broadcast_in_dim3A_1 : vector<16xi32> to vector<16x1xi32>
            %gather3A_218 = vector.shape_cast %broadcast_in_dim3A_217 : vector<16x1xi32> to vector<16xi32>
            %gather3A_219 = tpu.dynamic_gather %select_n3A_208[%gather3A_218] in [0] : vector<16xi32>, vector<16xi32> -> vector<16xi32>
            %ne3A = arith.cmpi ne, %iota3A, %all_reduce_ffs3A : vector<16xi32>
            %and3A = arith.andi %while3A_160, %ne3A : vector<16xi1>
            %lt3A_220 = arith.cmpi slt, %get3A_148, %gather3A_219 : vector<16xi32>
            %and3A_221 = arith.andi %and3A, %lt3A_220 : vector<16xi1>
            scf.yield %select_n3A_196, %select_n3A_208, %select_n3A_200, %select_n3A_216, %gather3A_219, %and3A_221 : vector<16xi32>, vector<16xi32>, vector<16xi32>, vector<16xi32>, vector<16xi32>, vector<16xi1>
          }
          scf.yield %while3A#0, %while3A#1, %while3A#2, %while3A#3, %while3A#4 : vector<16xi32>, vector<16xi32>, vector<16xi32>, vector<16xi32>, vector<16xi32>
        } else {
          scf.yield %scan3A_140, %scan3A_141, %scan3A_142, %scan3A_143, %scan3A_144 : vector<16xi32>, vector<16xi32>, vector<16xi32>, vector<16xi32>, vector<16xi32>
        }
        %add3A_152 = arith.constant 16 : i32
        %add3A_153 = vector.broadcast %add3A_152 : i32 to vector<16xi32>
        %add3A_154 = arith.addi %scan3A_145, %add3A_153 : vector<16xi32>
        scf.yield %cond3A_151#0, %cond3A_151#1, %cond3A_151#2, %cond3A_151#3, %cond3A_151#4, %add3A_154 : vector<16xi32>, vector<16xi32>, vector<16xi32>, vector<16xi32>, vector<16xi32>, vector<16xi32>
      }
      %scan3A_86 = arith.constant 1568 : i32
      %dma_start3A_87 = arith.constant 0 : i32
      %dma_start3A_88 = tpu.memref_slice %arg2[%add3A_13, %dma_start3A_87] : memref<1024x100352xi32, #tpu.memory_space<hbm>> -> memref<1x100352xi32, #tpu.memory_space<hbm>>
      %dma_start3A_89 = tpu.memref_squeeze %dma_start3A_88 : memref<1x100352xi32, #tpu.memory_space<hbm>> -> memref<100352xi32, #tpu.memory_space<hbm>>
      %dma_start3A_90 = arith.constant 75264 : i32
      %dma_start3A_91 = tpu.memref_slice %dma_start3A_89[%dma_start3A_90] : memref<100352xi32, #tpu.memory_space<hbm>> -> memref<25088xi32, #tpu.memory_space<hbm>>
      %dma_start3A_92 = arith.constant 0 : i32
      %dma_start3A_93 = tpu.memref_slice %arg2[%add3A_13, %dma_start3A_92] : memref<1024x100352xi32, #tpu.memory_space<hbm>> -> memref<1x100352xi32, #tpu.memory_space<hbm>>
      %dma_start3A_94 = tpu.memref_squeeze %dma_start3A_93 : memref<1x100352xi32, #tpu.memory_space<hbm>> -> memref<100352xi32, #tpu.memory_space<hbm>>
      %dma_start3A_95 = arith.constant 75264 : i32
      %dma_start3A_96 = tpu.memref_slice %dma_start3A_94[%dma_start3A_95] : memref<100352xi32, #tpu.memory_space<hbm>> -> memref<25088xi32, #tpu.memory_space<hbm>>
      tpu.enqueue_dma source(%dma_start3A_96 : memref<25088xi32, #tpu.memory_space<hbm>>) target(%arg5 : memref<25088xi32, #tpu.memory_space<vmem>>) target_semaphore(%arg8 : memref<!tpu.dma_semaphore, #tpu.memory_space<semaphore_mem>>)
      %dma_wait3A_97 = arith.constant 0 : i32
      %dma_wait3A_98 = tpu.memref_slice %arg2[%add3A_13, %dma_wait3A_97] : memref<1024x100352xi32, #tpu.memory_space<hbm>> -> memref<1x100352xi32, #tpu.memory_space<hbm>>
      %dma_wait3A_99 = tpu.memref_squeeze %dma_wait3A_98 : memref<1x100352xi32, #tpu.memory_space<hbm>> -> memref<100352xi32, #tpu.memory_space<hbm>>
      %dma_wait3A_100 = arith.constant 50176 : i32
      %dma_wait3A_101 = tpu.memref_slice %dma_wait3A_99[%dma_wait3A_100] : memref<100352xi32, #tpu.memory_space<hbm>> -> memref<25088xi32, #tpu.memory_space<hbm>>
      %dma_wait3A_102 = arith.constant 0 : i32
      %dma_wait3A_103 = tpu.memref_slice %arg2[%add3A_13, %dma_wait3A_102] : memref<1024x100352xi32, #tpu.memory_space<hbm>> -> memref<1x100352xi32, #tpu.memory_space<hbm>>
      %dma_wait3A_104 = tpu.memref_squeeze %dma_wait3A_103 : memref<1x100352xi32, #tpu.memory_space<hbm>> -> memref<100352xi32, #tpu.memory_space<hbm>>
      %dma_wait3A_105 = arith.constant 50176 : i32
      %dma_wait3A_106 = tpu.memref_slice %dma_wait3A_104[%dma_wait3A_105] : memref<100352xi32, #tpu.memory_space<hbm>> -> memref<25088xi32, #tpu.memory_space<hbm>>
      tpu.wait_dma2 semaphore(%arg7 : memref<!tpu.dma_semaphore, #tpu.memory_space<semaphore_mem>>) src(%dma_wait3A_106 : memref<25088xi32, #tpu.memory_space<hbm>>) dst(%arg4 : memref<25088xi32, #tpu.memory_space<vmem>>)
      %add3A_107 = arith.constant 50176 : i32
      %add3A_108 = vector.broadcast %add3A_107 : i32 to vector<16xi32>
      %add3A_109 = arith.addi %iota3A, %add3A_108 : vector<16xi32>
      %scan3A_110 = arith.constant 0 : i32
      %scan3A_111 = arith.constant 1568 : i32
      %scan3A_112 = arith.addi %scan3A_110, %scan3A_111 : i32
      %scan3A_113 = arith.constant 1 : i32
      %scan3A_114:6 = scf.for %scan3A_139 = %scan3A_110 to %scan3A_112 step %scan3A_113 iter_args(%scan3A_140 = %scan3A_85#0, %scan3A_141 = %scan3A_85#1, %scan3A_142 = %scan3A_85#2, %scan3A_143 = %scan3A_85#3, %scan3A_144 = %scan3A_85#4, %scan3A_145 = %add3A_109) -> (vector<16xi32>, vector<16xi32>, vector<16xi32>, vector<16xi32>, vector<16xi32>, vector<16xi32>)  : i32 {
        %mul3A_146 = arith.constant 16 : i32
        %mul3A_147 = arith.muli %scan3A_139, %mul3A_146 : i32
        %get3A = arith.index_cast %mul3A_147 : i32 to index
        %get3A_148 = tpu.vector_load %arg4[%get3A] {strides = array<i32>} : memref<25088xi32, #tpu.memory_space<vmem>>, vector<16xi32>,
        %lt3A = arith.cmpi slt, %get3A_148, %scan3A_144 : vector<16xi32>
        %all_reduce_population_count3A = tpu.all_reduce %lt3A {dim = 0 : i64, kind = #tpu.reduction_kind<sum>} : vector<16xi1> -> vector<16xi32>
        %slice3A = vector.extract_strided_slice %all_reduce_population_count3A {offsets = [0], sizes = [1], strides = [1]} : vector<16xi32> to vector<1xi32>
        %squeeze3A = vector.extract %slice3A[0] : i32 from vector<1xi32>
        %gt3A = arith.constant 0 : i32
        %gt3A_149 = arith.cmpi sgt, %squeeze3A, %gt3A : i32
        %convert_element_type3A = arith.extui %gt3A_149 : i1 to i32
        %cond3A = arith.constant 0 : i32
        %cond3A_150 = arith.cmpi ne, %convert_element_type3A, %cond3A : i32
        %cond3A_151:5 = scf.if %cond3A_150 -> (vector<16xi32>, vector<16xi32>, vector<16xi32>, vector<16xi32>, vector<16xi32>) {
          %while3A:6 = scf.while (%while3A_155 = %scan3A_140, %while3A_156 = %scan3A_141, %while3A_157 = %scan3A_142, %while3A_158 = %scan3A_143, %while3A_159 = %scan3A_144, %while3A_160 = %lt3A) : (vector<16xi32>, vector<16xi32>, vector<16xi32>, vector<16xi32>, vector<16xi32>, vector<16xi1>) -> (vector<16xi32>, vector<16xi32>, vector<16xi32>, vector<16xi32>, vector<16xi32>, vector<16xi1>) {
            %all_reduce_population_count3A_161 = tpu.all_reduce %while3A_160 {dim = 0 : i64, kind = #tpu.reduction_kind<sum>} : vector<16xi1> -> vector<16xi32>
            %slice3A_162 = vector.extract_strided_slice %all_reduce_population_count3A_161 {offsets = [0], sizes = [1], strides = [1]} : vector<16xi32> to vector<1xi32>
            %squeeze3A_163 = vector.extract %slice3A_162[0] : i32 from vector<1xi32>
            %gt3A_164 = arith.constant 0 : i32
            %gt3A_165 = arith.cmpi sgt, %squeeze3A_163, %gt3A_164 : i32
            scf.condition(%gt3A_165) %while3A_155, %while3A_156, %while3A_157, %while3A_158, %while3A_159, %while3A_160 : vector<16xi32>, vector<16xi32>, vector<16xi32>, vector<16xi32>, vector<16xi32>, vector<16xi1>
          } do {
          ^bb0(%while3A_155: vector<16xi32>, %while3A_156: vector<16xi32>, %while3A_157: vector<16xi32>, %while3A_158: vector<16xi32>, %while3A_159: vector<16xi32>, %while3A_160: vector<16xi1>):
            %all_reduce_ffs3A = tpu.all_reduce %while3A_160 {dim = 0 : i64, kind = #tpu.reduction_kind<find_first_set>} : vector<16xi1> -> vector<16xi32>
            %broadcast_in_dim3A_161 = vector.shape_cast %all_reduce_ffs3A : vector<16xi32> to vector<16x1xi32>
            %gather3A = vector.shape_cast %broadcast_in_dim3A_161 : vector<16x1xi32> to vector<16xi32>
            %gather3A_162 = tpu.dynamic_gather %get3A_148[%gather3A] in [0] : vector<16xi32>, vector<16xi32> -> vector<16xi32>
            %broadcast_in_dim3A_163 = vector.shape_cast %all_reduce_ffs3A : vector<16xi32> to vector<16x1xi32>
            %gather3A_164 = vector.shape_cast %broadcast_in_dim3A_163 : vector<16x1xi32> to vector<16xi32>
            %gather3A_165 = tpu.dynamic_gather %scan3A_145[%gather3A_164] in [0] : vector<16xi32>, vector<16xi32> -> vector<16xi32>
            %le3A = arith.cmpi sle, %while3A_155, %gather3A_162 : vector<16xi32>
            %all_reduce_population_count3A_166 = tpu.all_reduce %le3A {dim = 0 : i64, kind = #tpu.reduction_kind<sum>} : vector<16xi1> -> vector<16xi32>
            %le3A_167 = arith.cmpi sle, %while3A_156, %gather3A_162 : vector<16xi32>
            %all_reduce_population_count3A_168 = tpu.all_reduce %le3A_167 {dim = 0 : i64, kind = #tpu.reduction_kind<sum>} : vector<16xi1> -> vector<16xi32>
            %add3A_169 = arith.addi %all_reduce_population_count3A_166, %all_reduce_population_count3A_168 : vector<16xi32>
            %sub3A = arith.constant 1 : i32
            %sub3A_170 = vector.broadcast %sub3A : i32 to vector<16xi32>
            %sub3A_171 = arith.subi %iota3A, %sub3A_170 : vector<16xi32>
            %max3A = arith.constant 0 : i32
            %max3A_172 = vector.broadcast %max3A : i32 to vector<16xi32>
            %max3A_173 = arith.maxsi %sub3A_171, %max3A_172 : vector<16xi32>
            %broadcast_in_dim3A_174 = vector.shape_cast %max3A_173 : vector<16xi32> to vector<16x1xi32>
            %gather3A_175 = vector.shape_cast %broadcast_in_dim3A_174 : vector<16x1xi32> to vector<16xi32>
            %gather3A_176 = tpu.dynamic_gather %while3A_155[%gather3A_175] in [0] : vector<16xi32>, vector<16xi32> -> vector<16xi32>
            %broadcast_in_dim3A_177 = vector.shape_cast %max3A_173 : vector<16xi32> to vector<16x1xi32>
            %gather3A_178 = vector.shape_cast %broadcast_in_dim3A_177 : vector<16x1xi32> to vector<16xi32>
            %gather3A_179 = tpu.dynamic_gather %while3A_156[%gather3A_178] in [0] : vector<16xi32>, vector<16xi32> -> vector<16xi32>
            %broadcast_in_dim3A_180 = vector.shape_cast %max3A_173 : vector<16xi32> to vector<16x1xi32>
            %gather3A_181 = vector.shape_cast %broadcast_in_dim3A_180 : vector<16x1xi32> to vector<16xi32>
            %gather3A_182 = tpu.dynamic_gather %while3A_157[%gather3A_181] in [0] : vector<16xi32>, vector<16xi32> -> vector<16xi32>
            %broadcast_in_dim3A_183 = vector.shape_cast %max3A_173 : vector<16xi32> to vector<16x1xi32>
            %gather3A_184 = vector.shape_cast %broadcast_in_dim3A_183 : vector<16x1xi32> to vector<16xi32>
            %gather3A_185 = tpu.dynamic_gather %while3A_158[%gather3A_184] in [0] : vector<16xi32>, vector<16xi32> -> vector<16xi32>
            %broadcast_in_dim3A_186 = vector.shape_cast %broadcast_in_dim3A_1 : vector<16xi32> to vector<16x1xi32>
            %gather3A_187 = vector.shape_cast %broadcast_in_dim3A_186 : vector<16x1xi32> to vector<16xi32>
            %gather3A_188 = tpu.dynamic_gather %while3A_155[%gather3A_187] in [0] : vector<16xi32>, vector<16xi32> -> vector<16xi32>
            %broadcast_in_dim3A_189 = vector.shape_cast %broadcast_in_dim3A_1 : vector<16xi32> to vector<16x1xi32>
            %gather3A_190 = vector.shape_cast %broadcast_in_dim3A_189 : vector<16x1xi32> to vector<16xi32>
            %gather3A_191 = tpu.dynamic_gather %while3A_157[%gather3A_190] in [0] : vector<16xi32>, vector<16xi32> -> vector<16xi32>
            %add3A_192 = arith.constant 16 : i32
            %add3A_193 = vector.broadcast %add3A_192 : i32 to vector<16xi32>
            %add3A_194 = arith.addi %iota3A, %add3A_193 : vector<16xi32>
            %lt3A_195 = arith.cmpi slt, %iota3A, %add3A_169 : vector<16xi32>
            %eq3A = arith.cmpi eq, %iota3A, %add3A_169 : vector<16xi32>
            %select_n3A = arith.select %eq3A, %gather3A_162, %gather3A_176 : vector<16xi1>, vector<16xi32>
            %select_n3A_196 = arith.select %lt3A_195, %while3A_155, %select_n3A : vector<16xi1>, vector<16xi32>
            %lt3A_197 = arith.cmpi slt, %iota3A, %add3A_169 : vector<16xi32>
            %eq3A_198 = arith.cmpi eq, %iota3A, %add3A_169 : vector<16xi32>
            %select_n3A_199 = arith.select %eq3A_198, %gather3A_165, %gather3A_182 : vector<16xi1>, vector<16xi32>
            %select_n3A_200 = arith.select %lt3A_197, %while3A_157, %select_n3A_199 : vector<16xi1>, vector<16xi32>
            %lt3A_201 = arith.cmpi slt, %add3A_194, %add3A_169 : vector<16xi32>
            %eq3A_202 = arith.cmpi eq, %add3A_194, %add3A_169 : vector<16xi32>
            %eq3A_203 = arith.constant 0 : i32
            %eq3A_204 = vector.broadcast %eq3A_203 : i32 to vector<16xi32>
            %eq3A_205 = arith.cmpi eq, %iota3A, %eq3A_204 : vector<16xi32>
            %select_n3A_206 = arith.select %eq3A_205, %gather3A_188, %gather3A_179 : vector<16xi1>, vector<16xi32>
            %select_n3A_207 = arith.select %eq3A_202, %gather3A_162, %select_n3A_206 : vector<16xi1>, vector<16xi32>
            %select_n3A_208 = arith.select %lt3A_201, %while3A_156, %select_n3A_207 : vector<16xi1>, vector<16xi32>
            %lt3A_209 = arith.cmpi slt, %add3A_194, %add3A_169 : vector<16xi32>
            %eq3A_210 = arith.cmpi eq, %add3A_194, %add3A_169 : vector<16xi32>
            %eq3A_211 = arith.constant 0 : i32
            %eq3A_212 = vector.broadcast %eq3A_211 : i32 to vector<16xi32>
            %eq3A_213 = arith.cmpi eq, %iota3A, %eq3A_212 : vector<16xi32>
            %select_n3A_214 = arith.select %eq3A_213, %gather3A_191, %gather3A_185 : vector<16xi1>, vector<16xi32>
            %select_n3A_215 = arith.select %eq3A_210, %gather3A_165, %select_n3A_214 : vector<16xi1>, vector<16xi32>
            %select_n3A_216 = arith.select %lt3A_209, %while3A_158, %select_n3A_215 : vector<16xi1>, vector<16xi32>
            %broadcast_in_dim3A_217 = vector.shape_cast %broadcast_in_dim3A_1 : vector<16xi32> to vector<16x1xi32>
            %gather3A_218 = vector.shape_cast %broadcast_in_dim3A_217 : vector<16x1xi32> to vector<16xi32>
            %gather3A_219 = tpu.dynamic_gather %select_n3A_208[%gather3A_218] in [0] : vector<16xi32>, vector<16xi32> -> vector<16xi32>
            %ne3A = arith.cmpi ne, %iota3A, %all_reduce_ffs3A : vector<16xi32>
            %and3A = arith.andi %while3A_160, %ne3A : vector<16xi1>
            %lt3A_220 = arith.cmpi slt, %get3A_148, %gather3A_219 : vector<16xi32>
            %and3A_221 = arith.andi %and3A, %lt3A_220 : vector<16xi1>
            scf.yield %select_n3A_196, %select_n3A_208, %select_n3A_200, %select_n3A_216, %gather3A_219, %and3A_221 : vector<16xi32>, vector<16xi32>, vector<16xi32>, vector<16xi32>, vector<16xi32>, vector<16xi1>
          }
          scf.yield %while3A#0, %while3A#1, %while3A#2, %while3A#3, %while3A#4 : vector<16xi32>, vector<16xi32>, vector<16xi32>, vector<16xi32>, vector<16xi32>
        } else {
          scf.yield %scan3A_140, %scan3A_141, %scan3A_142, %scan3A_143, %scan3A_144 : vector<16xi32>, vector<16xi32>, vector<16xi32>, vector<16xi32>, vector<16xi32>
        }
        %add3A_152 = arith.constant 16 : i32
        %add3A_153 = vector.broadcast %add3A_152 : i32 to vector<16xi32>
        %add3A_154 = arith.addi %scan3A_145, %add3A_153 : vector<16xi32>
        scf.yield %cond3A_151#0, %cond3A_151#1, %cond3A_151#2, %cond3A_151#3, %cond3A_151#4, %add3A_154 : vector<16xi32>, vector<16xi32>, vector<16xi32>, vector<16xi32>, vector<16xi32>, vector<16xi32>
      }
      %scan3A_115 = arith.constant 1568 : i32
      %dma_wait3A_116 = arith.constant 0 : i32
      %dma_wait3A_117 = tpu.memref_slice %arg2[%add3A_13, %dma_wait3A_116] : memref<1024x100352xi32, #tpu.memory_space<hbm>> -> memref<1x100352xi32, #tpu.memory_space<hbm>>
      %dma_wait3A_118 = tpu.memref_squeeze %dma_wait3A_117 : memref<1x100352xi32, #tpu.memory_space<hbm>> -> memref<100352xi32, #tpu.memory_space<hbm>>
      %dma_wait3A_119 = arith.constant 75264 : i32
      %dma_wait3A_120 = tpu.memref_slice %dma_wait3A_118[%dma_wait3A_119] : memref<100352xi32, #tpu.memory_space<hbm>> -> memref<25088xi32, #tpu.memory_space<hbm>>
      %dma_wait3A_121 = arith.constant 0 : i32
      %dma_wait3A_122 = tpu.memref_slice %arg2[%add3A_13, %dma_wait3A_121] : memref<1024x100352xi32, #tpu.memory_space<hbm>> -> memref<1x100352xi32, #tpu.memory_space<hbm>>
      %dma_wait3A_123 = tpu.memref_squeeze %dma_wait3A_122 : memref<1x100352xi32, #tpu.memory_space<hbm>> -> memref<100352xi32, #tpu.memory_space<hbm>>
      %dma_wait3A_124 = arith.constant 75264 : i32
      %dma_wait3A_125 = tpu.memref_slice %dma_wait3A_123[%dma_wait3A_124] : memref<100352xi32, #tpu.memory_space<hbm>> -> memref<25088xi32, #tpu.memory_space<hbm>>
      tpu.wait_dma2 semaphore(%arg8 : memref<!tpu.dma_semaphore, #tpu.memory_space<semaphore_mem>>) src(%dma_wait3A_125 : memref<25088xi32, #tpu.memory_space<hbm>>) dst(%arg5 : memref<25088xi32, #tpu.memory_space<vmem>>)
      %add3A_126 = arith.constant 75264 : i32
      %add3A_127 = vector.broadcast %add3A_126 : i32 to vector<16xi32>
      %add3A_128 = arith.addi %iota3A, %add3A_127 : vector<16xi32>
      %scan3A_129 = arith.constant 0 : i32
      %scan3A_130 = arith.constant 1568 : i32
      %scan3A_131 = arith.addi %scan3A_129, %scan3A_130 : i32
      %scan3A_132 = arith.constant 1 : i32
      %scan3A_133:6 = scf.for %scan3A_139 = %scan3A_129 to %scan3A_131 step %scan3A_132 iter_args(%scan3A_140 = %scan3A_114#0, %scan3A_141 = %scan3A_114#1, %scan3A_142 = %scan3A_114#2, %scan3A_143 = %scan3A_114#3, %scan3A_144 = %scan3A_114#4, %scan3A_145 = %add3A_128) -> (vector<16xi32>, vector<16xi32>, vector<16xi32>, vector<16xi32>, vector<16xi32>, vector<16xi32>)  : i32 {
        %mul3A_146 = arith.constant 16 : i32
        %mul3A_147 = arith.muli %scan3A_139, %mul3A_146 : i32
        %get3A = arith.index_cast %mul3A_147 : i32 to index
        %get3A_148 = tpu.vector_load %arg5[%get3A] {strides = array<i32>} : memref<25088xi32, #tpu.memory_space<vmem>>, vector<16xi32>,
        %lt3A = arith.cmpi slt, %get3A_148, %scan3A_144 : vector<16xi32>
        %all_reduce_population_count3A = tpu.all_reduce %lt3A {dim = 0 : i64, kind = #tpu.reduction_kind<sum>} : vector<16xi1> -> vector<16xi32>
        %slice3A = vector.extract_strided_slice %all_reduce_population_count3A {offsets = [0], sizes = [1], strides = [1]} : vector<16xi32> to vector<1xi32>
        %squeeze3A = vector.extract %slice3A[0] : i32 from vector<1xi32>
        %gt3A = arith.constant 0 : i32
        %gt3A_149 = arith.cmpi sgt, %squeeze3A, %gt3A : i32
        %convert_element_type3A = arith.extui %gt3A_149 : i1 to i32
        %cond3A = arith.constant 0 : i32
        %cond3A_150 = arith.cmpi ne, %convert_element_type3A, %cond3A : i32
        %cond3A_151:5 = scf.if %cond3A_150 -> (vector<16xi32>, vector<16xi32>, vector<16xi32>, vector<16xi32>, vector<16xi32>) {
          %while3A:6 = scf.while (%while3A_155 = %scan3A_140, %while3A_156 = %scan3A_141, %while3A_157 = %scan3A_142, %while3A_158 = %scan3A_143, %while3A_159 = %scan3A_144, %while3A_160 = %lt3A) : (vector<16xi32>, vector<16xi32>, vector<16xi32>, vector<16xi32>, vector<16xi32>, vector<16xi1>) -> (vector<16xi32>, vector<16xi32>, vector<16xi32>, vector<16xi32>, vector<16xi32>, vector<16xi1>) {
            %all_reduce_population_count3A_161 = tpu.all_reduce %while3A_160 {dim = 0 : i64, kind = #tpu.reduction_kind<sum>} : vector<16xi1> -> vector<16xi32>
            %slice3A_162 = vector.extract_strided_slice %all_reduce_population_count3A_161 {offsets = [0], sizes = [1], strides = [1]} : vector<16xi32> to vector<1xi32>
            %squeeze3A_163 = vector.extract %slice3A_162[0] : i32 from vector<1xi32>
            %gt3A_164 = arith.constant 0 : i32
            %gt3A_165 = arith.cmpi sgt, %squeeze3A_163, %gt3A_164 : i32
            scf.condition(%gt3A_165) %while3A_155, %while3A_156, %while3A_157, %while3A_158, %while3A_159, %while3A_160 : vector<16xi32>, vector<16xi32>, vector<16xi32>, vector<16xi32>, vector<16xi32>, vector<16xi1>
          } do {
          ^bb0(%while3A_155: vector<16xi32>, %while3A_156: vector<16xi32>, %while3A_157: vector<16xi32>, %while3A_158: vector<16xi32>, %while3A_159: vector<16xi32>, %while3A_160: vector<16xi1>):
            %all_reduce_ffs3A = tpu.all_reduce %while3A_160 {dim = 0 : i64, kind = #tpu.reduction_kind<find_first_set>} : vector<16xi1> -> vector<16xi32>
            %broadcast_in_dim3A_161 = vector.shape_cast %all_reduce_ffs3A : vector<16xi32> to vector<16x1xi32>
            %gather3A = vector.shape_cast %broadcast_in_dim3A_161 : vector<16x1xi32> to vector<16xi32>
            %gather3A_162 = tpu.dynamic_gather %get3A_148[%gather3A] in [0] : vector<16xi32>, vector<16xi32> -> vector<16xi32>
            %broadcast_in_dim3A_163 = vector.shape_cast %all_reduce_ffs3A : vector<16xi32> to vector<16x1xi32>
            %gather3A_164 = vector.shape_cast %broadcast_in_dim3A_163 : vector<16x1xi32> to vector<16xi32>
            %gather3A_165 = tpu.dynamic_gather %scan3A_145[%gather3A_164] in [0] : vector<16xi32>, vector<16xi32> -> vector<16xi32>
            %le3A = arith.cmpi sle, %while3A_155, %gather3A_162 : vector<16xi32>
            %all_reduce_population_count3A_166 = tpu.all_reduce %le3A {dim = 0 : i64, kind = #tpu.reduction_kind<sum>} : vector<16xi1> -> vector<16xi32>
            %le3A_167 = arith.cmpi sle, %while3A_156, %gather3A_162 : vector<16xi32>
            %all_reduce_population_count3A_168 = tpu.all_reduce %le3A_167 {dim = 0 : i64, kind = #tpu.reduction_kind<sum>} : vector<16xi1> -> vector<16xi32>
            %add3A_169 = arith.addi %all_reduce_population_count3A_166, %all_reduce_population_count3A_168 : vector<16xi32>
            %sub3A = arith.constant 1 : i32
            %sub3A_170 = vector.broadcast %sub3A : i32 to vector<16xi32>
            %sub3A_171 = arith.subi %iota3A, %sub3A_170 : vector<16xi32>
            %max3A = arith.constant 0 : i32
            %max3A_172 = vector.broadcast %max3A : i32 to vector<16xi32>
            %max3A_173 = arith.maxsi %sub3A_171, %max3A_172 : vector<16xi32>
            %broadcast_in_dim3A_174 = vector.shape_cast %max3A_173 : vector<16xi32> to vector<16x1xi32>
            %gather3A_175 = vector.shape_cast %broadcast_in_dim3A_174 : vector<16x1xi32> to vector<16xi32>
            %gather3A_176 = tpu.dynamic_gather %while3A_155[%gather3A_175] in [0] : vector<16xi32>, vector<16xi32> -> vector<16xi32>
            %broadcast_in_dim3A_177 = vector.shape_cast %max3A_173 : vector<16xi32> to vector<16x1xi32>
            %gather3A_178 = vector.shape_cast %broadcast_in_dim3A_177 : vector<16x1xi32> to vector<16xi32>
            %gather3A_179 = tpu.dynamic_gather %while3A_156[%gather3A_178] in [0] : vector<16xi32>, vector<16xi32> -> vector<16xi32>
            %broadcast_in_dim3A_180 = vector.shape_cast %max3A_173 : vector<16xi32> to vector<16x1xi32>
            %gather3A_181 = vector.shape_cast %broadcast_in_dim3A_180 : vector<16x1xi32> to vector<16xi32>
            %gather3A_182 = tpu.dynamic_gather %while3A_157[%gather3A_181] in [0] : vector<16xi32>, vector<16xi32> -> vector<16xi32>
            %broadcast_in_dim3A_183 = vector.shape_cast %max3A_173 : vector<16xi32> to vector<16x1xi32>
            %gather3A_184 = vector.shape_cast %broadcast_in_dim3A_183 : vector<16x1xi32> to vector<16xi32>
            %gather3A_185 = tpu.dynamic_gather %while3A_158[%gather3A_184] in [0] : vector<16xi32>, vector<16xi32> -> vector<16xi32>
            %broadcast_in_dim3A_186 = vector.shape_cast %broadcast_in_dim3A_1 : vector<16xi32> to vector<16x1xi32>
            %gather3A_187 = vector.shape_cast %broadcast_in_dim3A_186 : vector<16x1xi32> to vector<16xi32>
            %gather3A_188 = tpu.dynamic_gather %while3A_155[%gather3A_187] in [0] : vector<16xi32>, vector<16xi32> -> vector<16xi32>
            %broadcast_in_dim3A_189 = vector.shape_cast %broadcast_in_dim3A_1 : vector<16xi32> to vector<16x1xi32>
            %gather3A_190 = vector.shape_cast %broadcast_in_dim3A_189 : vector<16x1xi32> to vector<16xi32>
            %gather3A_191 = tpu.dynamic_gather %while3A_157[%gather3A_190] in [0] : vector<16xi32>, vector<16xi32> -> vector<16xi32>
            %add3A_192 = arith.constant 16 : i32
            %add3A_193 = vector.broadcast %add3A_192 : i32 to vector<16xi32>
            %add3A_194 = arith.addi %iota3A, %add3A_193 : vector<16xi32>
            %lt3A_195 = arith.cmpi slt, %iota3A, %add3A_169 : vector<16xi32>
            %eq3A = arith.cmpi eq, %iota3A, %add3A_169 : vector<16xi32>
            %select_n3A = arith.select %eq3A, %gather3A_162, %gather3A_176 : vector<16xi1>, vector<16xi32>
            %select_n3A_196 = arith.select %lt3A_195, %while3A_155, %select_n3A : vector<16xi1>, vector<16xi32>
            %lt3A_197 = arith.cmpi slt, %iota3A, %add3A_169 : vector<16xi32>
            %eq3A_198 = arith.cmpi eq, %iota3A, %add3A_169 : vector<16xi32>
            %select_n3A_199 = arith.select %eq3A_198, %gather3A_165, %gather3A_182 : vector<16xi1>, vector<16xi32>
            %select_n3A_200 = arith.select %lt3A_197, %while3A_157, %select_n3A_199 : vector<16xi1>, vector<16xi32>
            %lt3A_201 = arith.cmpi slt, %add3A_194, %add3A_169 : vector<16xi32>
            %eq3A_202 = arith.cmpi eq, %add3A_194, %add3A_169 : vector<16xi32>
            %eq3A_203 = arith.constant 0 : i32
            %eq3A_204 = vector.broadcast %eq3A_203 : i32 to vector<16xi32>
            %eq3A_205 = arith.cmpi eq, %iota3A, %eq3A_204 : vector<16xi32>
            %select_n3A_206 = arith.select %eq3A_205, %gather3A_188, %gather3A_179 : vector<16xi1>, vector<16xi32>
            %select_n3A_207 = arith.select %eq3A_202, %gather3A_162, %select_n3A_206 : vector<16xi1>, vector<16xi32>
            %select_n3A_208 = arith.select %lt3A_201, %while3A_156, %select_n3A_207 : vector<16xi1>, vector<16xi32>
            %lt3A_209 = arith.cmpi slt, %add3A_194, %add3A_169 : vector<16xi32>
            %eq3A_210 = arith.cmpi eq, %add3A_194, %add3A_169 : vector<16xi32>
            %eq3A_211 = arith.constant 0 : i32
            %eq3A_212 = vector.broadcast %eq3A_211 : i32 to vector<16xi32>
            %eq3A_213 = arith.cmpi eq, %iota3A, %eq3A_212 : vector<16xi32>
            %select_n3A_214 = arith.select %eq3A_213, %gather3A_191, %gather3A_185 : vector<16xi1>, vector<16xi32>
            %select_n3A_215 = arith.select %eq3A_210, %gather3A_165, %select_n3A_214 : vector<16xi1>, vector<16xi32>
            %select_n3A_216 = arith.select %lt3A_209, %while3A_158, %select_n3A_215 : vector<16xi1>, vector<16xi32>
            %broadcast_in_dim3A_217 = vector.shape_cast %broadcast_in_dim3A_1 : vector<16xi32> to vector<16x1xi32>
            %gather3A_218 = vector.shape_cast %broadcast_in_dim3A_217 : vector<16x1xi32> to vector<16xi32>
            %gather3A_219 = tpu.dynamic_gather %select_n3A_208[%gather3A_218] in [0] : vector<16xi32>, vector<16xi32> -> vector<16xi32>
            %ne3A = arith.cmpi ne, %iota3A, %all_reduce_ffs3A : vector<16xi32>
            %and3A = arith.andi %while3A_160, %ne3A : vector<16xi1>
            %lt3A_220 = arith.cmpi slt, %get3A_148, %gather3A_219 : vector<16xi32>
            %and3A_221 = arith.andi %and3A, %lt3A_220 : vector<16xi1>
            scf.yield %select_n3A_196, %select_n3A_208, %select_n3A_200, %select_n3A_216, %gather3A_219, %and3A_221 : vector<16xi32>, vector<16xi32>, vector<16xi32>, vector<16xi32>, vector<16xi32>, vector<16xi1>
          }
          scf.yield %while3A#0, %while3A#1, %while3A#2, %while3A#3, %while3A#4 : vector<16xi32>, vector<16xi32>, vector<16xi32>, vector<16xi32>, vector<16xi32>
        } else {
          scf.yield %scan3A_140, %scan3A_141, %scan3A_142, %scan3A_143, %scan3A_144 : vector<16xi32>, vector<16xi32>, vector<16xi32>, vector<16xi32>, vector<16xi32>
        }
        %add3A_152 = arith.constant 16 : i32
        %add3A_153 = vector.broadcast %add3A_152 : i32 to vector<16xi32>
        %add3A_154 = arith.addi %scan3A_145, %add3A_153 : vector<16xi32>
        scf.yield %cond3A_151#0, %cond3A_151#1, %cond3A_151#2, %cond3A_151#3, %cond3A_151#4, %add3A_154 : vector<16xi32>, vector<16xi32>, vector<16xi32>, vector<16xi32>, vector<16xi32>, vector<16xi32>
      }
      %scan3A_134 = arith.constant 1568 : i32
      %swap3A = arith.constant 0 : index
      %swap3A_135 = tpu.vector_load %arg6[%swap3A] {strides = array<i32>} : memref<32xi32, #tpu.memory_space<vmem>>, vector<16xi32>,
      tpu.vector_store %arg6[%swap3A], %scan3A_133#2 {strides = array<i32>} : memref<32xi32, #tpu.memory_space<vmem>>, vector<16xi32>,
      %swap3A_136 = arith.constant 16 : index
      %swap3A_137 = tpu.vector_load %arg6[%swap3A_136] {strides = array<i32>} : memref<32xi32, #tpu.memory_space<vmem>>, vector<16xi32>,
      tpu.vector_store %arg6[%swap3A_136], %scan3A_133#3 {strides = array<i32>} : memref<32xi32, #tpu.memory_space<vmem>>, vector<16xi32>,
      "tpu.region"() ({
        %run_scoped3A = tpu.sem_alloc : memref<!tpu.dma_semaphore, #tpu.memory_space<semaphore_mem>>
        %dma_start3A_139 = arith.constant 0 : i32
        %dma_start3A_140 = tpu.memref_slice %arg3[%add3A_13, %dma_start3A_139] : memref<1024x32xi32, #tpu.memory_space<hbm>> -> memref<1x32xi32, #tpu.memory_space<hbm>>
        %dma_start3A_141 = tpu.memref_squeeze %dma_start3A_140 : memref<1x32xi32, #tpu.memory_space<hbm>> -> memref<32xi32, #tpu.memory_space<hbm>>
        %dma_start3A_142 = arith.constant 0 : i32
        %dma_start3A_143 = tpu.memref_slice %arg3[%add3A_13, %dma_start3A_142] : memref<1024x32xi32, #tpu.memory_space<hbm>> -> memref<1x32xi32, #tpu.memory_space<hbm>>
        %dma_start3A_144 = tpu.memref_squeeze %dma_start3A_143 : memref<1x32xi32, #tpu.memory_space<hbm>> -> memref<32xi32, #tpu.memory_space<hbm>>
        tpu.enqueue_dma source(%arg6 : memref<32xi32, #tpu.memory_space<vmem>>) target(%dma_start3A_144 : memref<32xi32, #tpu.memory_space<hbm>>) target_semaphore(%run_scoped3A : memref<!tpu.dma_semaphore, #tpu.memory_space<semaphore_mem>>)
        %dma_wait3A_145 = arith.constant 0 : i32
        %dma_wait3A_146 = tpu.memref_slice %arg3[%add3A_13, %dma_wait3A_145] : memref<1024x32xi32, #tpu.memory_space<hbm>> -> memref<1x32xi32, #tpu.memory_space<hbm>>
        %dma_wait3A_147 = tpu.memref_squeeze %dma_wait3A_146 : memref<1x32xi32, #tpu.memory_space<hbm>> -> memref<32xi32, #tpu.memory_space<hbm>>
        %dma_wait3A_148 = arith.constant 0 : i32
        %dma_wait3A_149 = tpu.memref_slice %arg3[%add3A_13, %dma_wait3A_148] : memref<1024x32xi32, #tpu.memory_space<hbm>> -> memref<1x32xi32, #tpu.memory_space<hbm>>
        %dma_wait3A_150 = tpu.memref_squeeze %dma_wait3A_149 : memref<1x32xi32, #tpu.memory_space<hbm>> -> memref<32xi32, #tpu.memory_space<hbm>>
        tpu.wait_dma2 semaphore(%run_scoped3A : memref<!tpu.dma_semaphore, #tpu.memory_space<semaphore_mem>>) src(%arg6 : memref<32xi32, #tpu.memory_space<vmem>>) dst(%dma_wait3A_150 : memref<32xi32, #tpu.memory_space<hbm>>)
        tpu.yield
      }) : () -> ()
      %scan3A_138 = arith.constant 0 : i32
      scf.yield %scan3A_138 : i32
    }
    %scan3A_8 = arith.constant 32 : i32
    return
  }
}

module attributes {stable_mosaic.version = 14 : i64} {
  func.func @_keys_kernel(%arg0: i32, %arg1: memref<1024x128xf32, #tpu.memory_space<vmem>>, %arg2: memref<512x128xf32, #tpu.memory_space<vmem>>, %arg3: memref<1024x1xf32, #tpu.memory_space<vmem>>, %arg4: memref<1x512xf32, #tpu.memory_space<vmem>>, %arg5: memref<1024x512xi32, #tpu.memory_space<vmem>>) attributes {dimension_semantics = [#tpu.dimension_semantics<arbitrary>], iteration_bounds = array<i64: 196>, scalar_prefetch = 0 : i64, scratch_operands = 0 : i64, tpu.core_type = #tpu.core_type<tc>, window_params = [{pipeline_mode = #tpu.pipeline_mode<synchronous>, transform_indices = @transform_0, window_bounds = array<i64: 1024, 128>}, {transform_indices = @transform_1, window_bounds = array<i64: 512, 128>}, {pipeline_mode = #tpu.pipeline_mode<synchronous>, transform_indices = @transform_2, window_bounds = array<i64: 1024, 1>}, {transform_indices = @transform_3, window_bounds = array<i64: 1, 512>}, {transform_indices = @transform_4, window_bounds = array<i64: 1024, 512>}]} {
    %get3A = arith.constant 0 : index
    %get3A_0 = arith.constant 0 : index
    %get3A_1 = vector.load %arg1[%get3A, %get3A_0] : memref<1024x128xf32, #tpu.memory_space<vmem>>, vector<1024x128xf32>
    %get3A_2 = arith.constant 0 : index
    %get3A_3 = arith.constant 0 : index
    %get3A_4 = vector.load %arg2[%get3A_2, %get3A_3] : memref<512x128xf32, #tpu.memory_space<vmem>>, vector<512x128xf32>
    %transpose3A = tpu.transpose %get3A_4, [1, 0] : vector<512x128xf32> -> vector<128x512xf32>
    %dot_general3A = arith.constant dense<0.000000e+00> : vector<1024x512xf32>
    %dot_general3A_5 = tpu.matmul %get3A_1, %transpose3A, %dot_general3A {dimension_numbers = #tpu.dot_dimension_numbers<[1], [0], [0], [1], [0, 0, 1, 1], [], []>, transpose_lhs_hint = false} : vector<1024x128xf32>, vector<128x512xf32>, vector<1024x512xf32> -> vector<1024x512xf32>
    %get3A_6 = arith.constant 0 : index
    %get3A_7 = arith.constant 0 : index
    %get3A_8 = vector.load %arg3[%get3A_6, %get3A_7] : memref<1024x1xf32, #tpu.memory_space<vmem>>, vector<1024x1xf32>
    %get3A_9 = arith.constant 0 : index
    %get3A_10 = arith.constant 0 : index
    %get3A_11 = vector.load %arg4[%get3A_9, %get3A_10] : memref<1x512xf32, #tpu.memory_space<vmem>>, vector<1x512xf32>
    %add3A = vector.broadcast %get3A_8 : vector<1024x1xf32> to vector<1024x512xf32>
    %add3A_12 = vector.broadcast %get3A_11 : vector<1x512xf32> to vector<1024x512xf32>
    %add3A_13 = arith.addf %add3A, %add3A_12 : vector<1024x512xf32>
    %mul3A = arith.constant 2.000000e+00 : f32
    %mul3A_14 = vector.broadcast %mul3A : f32 to vector<1024x512xf32>
    %mul3A_15 = arith.mulf %mul3A_14, %dot_general3A_5 : vector<1024x512xf32>
    %sub3A = arith.subf %add3A_13, %mul3A_15 : vector<1024x512xf32>
    %bitcast_convert_type3A = tpu.bitcast %sub3A : vector<1024x512xf32> -> vector<1024x512xi32>
    %and3A = arith.constant 2147483647 : i32
    %and3A_16 = vector.broadcast %and3A : i32 to vector<1024x512xi32>
    %and3A_17 = arith.andi %bitcast_convert_type3A, %and3A_16 : vector<1024x512xi32>
    %add3A_18 = arith.constant 4095 : i32
    %add3A_19 = vector.broadcast %add3A_18 : i32 to vector<1024x512xi32>
    %add3A_20 = arith.addi %and3A_17, %add3A_19 : vector<1024x512xi32>
    %shift_right_arithmetic3A = arith.constant 13 : i32
    %shift_right_arithmetic3A_21 = vector.broadcast %shift_right_arithmetic3A : i32 to vector<1024x512xi32>
    %shift_right_arithmetic3A_22 = arith.shrsi %and3A_17, %shift_right_arithmetic3A_21 : vector<1024x512xi32>
    %and3A_23 = arith.constant 1 : i32
    %and3A_24 = vector.broadcast %and3A_23 : i32 to vector<1024x512xi32>
    %and3A_25 = arith.andi %shift_right_arithmetic3A_22, %and3A_24 : vector<1024x512xi32>
    %add3A_26 = arith.addi %add3A_20, %and3A_25 : vector<1024x512xi32>
    %sub3A_27 = arith.constant 939524096 : i32
    %sub3A_28 = vector.broadcast %sub3A_27 : i32 to vector<1024x512xi32>
    %sub3A_29 = arith.subi %add3A_26, %sub3A_28 : vector<1024x512xi32>
    %shift_right_arithmetic3A_30 = arith.constant 13 : i32
    %shift_right_arithmetic3A_31 = vector.broadcast %shift_right_arithmetic3A_30 : i32 to vector<1024x512xi32>
    %shift_right_arithmetic3A_32 = arith.shrsi %sub3A_29, %shift_right_arithmetic3A_31 : vector<1024x512xi32>
    %max3A = arith.constant 0 : i32
    %max3A_33 = vector.broadcast %max3A : i32 to vector<1024x512xi32>
    %max3A_34 = arith.maxsi %shift_right_arithmetic3A_32, %max3A_33 : vector<1024x512xi32>
    %shift_right_arithmetic3A_35 = arith.constant 31 : i32
    %shift_right_arithmetic3A_36 = vector.broadcast %shift_right_arithmetic3A_35 : i32 to vector<1024x512xi32>
    %shift_right_arithmetic3A_37 = arith.shrsi %bitcast_convert_type3A, %shift_right_arithmetic3A_36 : vector<1024x512xi32>
    %xor3A = arith.xori %max3A_34, %shift_right_arithmetic3A_37 : vector<1024x512xi32>
    %add3A_38 = arith.constant 32768 : i32
    %add3A_39 = vector.broadcast %add3A_38 : i32 to vector<1024x512xi32>
    %add3A_40 = arith.addi %add3A_39, %xor3A : vector<1024x512xi32>
    %swap3A = arith.constant 0 : index
    %swap3A_41 = arith.constant 0 : index
    %swap3A_42 = vector.load %arg5[%swap3A, %swap3A_41] : memref<1024x512xi32, #tpu.memory_space<vmem>>, vector<1024x512xi32>
    tpu.vector_store %arg5[%swap3A, %swap3A_41], %add3A_40 {strides = array<i32>} : memref<1024x512xi32, #tpu.memory_space<vmem>>, vector<1024x512xi32>,
    return
  }
  func.func @transform_0(%arg0: i32) -> (i32, i32) {
    %c0_i32 = arith.constant 0 : i32
    %c0_i32_0 = arith.constant 0 : i32
    %c0_i32_1 = arith.constant 0 : i32
    return %c0_i32, %c0_i32_0 : i32, i32
  }
  func.func @transform_1(%arg0: i32) -> (i32, i32) {
    %c0_i32 = arith.constant 0 : i32
    %c0_i32_0 = arith.constant 0 : i32
    return %arg0, %c0_i32 : i32, i32
  }
  func.func @transform_2(%arg0: i32) -> (i32, i32) {
    %c0_i32 = arith.constant 0 : i32
    %c0_i32_0 = arith.constant 0 : i32
    %c0_i32_1 = arith.constant 0 : i32
    return %c0_i32, %c0_i32_0 : i32, i32
  }
  func.func @transform_3(%arg0: i32) -> (i32, i32) {
    %c0_i32 = arith.constant 0 : i32
    %c0_i32_0 = arith.constant 0 : i32
    return %c0_i32, %arg0 : i32, i32
  }
  func.func @transform_4(%arg0: i32) -> (i32, i32) {
    %c0_i32 = arith.constant 0 : i32
    %c0_i32_0 = arith.constant 0 : i32
    return %c0_i32, %arg0 : i32, i32
  }
}

</mosaic_0001>

<sc_bundles>
// kernel: kernel.4.cloned.1.call-start
scs
__scs_entry_jumppad:
0x0: {  	(pc) =	sbr.rel $0x88, $3  }
0x1: {  	(tag) =	ssettag $0x0;
	lr =	simm.s32 $0x1  }
0x2: {  	[smem:$0x3F9F] =	sst lr;
	_ =	strace $0xD0000000  }
0x3: {  	_ = 	snop  }
0x4: {  	_ = 	snop  }
0x5: {  	_ = 	snop  }
0x6: {  	_ = 	snop  }
0x7: {  	_ = 	snop  }
__scs_overlays_trampoline_lowered:
0x8: {  	[smem:$0x3FAE] =	sst s0  }
0x9: {  	[smem:$0x3FAF] =	sst s1  }
0xa: {  	[smem:$0x3FB0] =	sst s2  }
0xb: {  	[smem:$0x3FB1] =	sst s3  }
0xc: {  	[smem:$0x3FB2] =	sst s4  }
0xd: {  	[smem:$0x3FB3] =	sst s5  }
0xe: {  	[smem:$0x3FB4] =	sst s6  }
0xf: {  	[smem:$0x3FB5] =	sst s7  }
0x10: {  	[smem:$0x3FB6] =	sst s8  }
0x11: {  	[smem:$0x3FB7] =	sst s9;
	s0 =	simm.s32 @!p0 $0x0  }
0x12: {  	s1 =	sld [smem:$0x3F9D];
	s0 =	simm.s32 @p0 $0x1  }
0x13: {  	[smem:$0x3FB8] =	sst s0;
	s0 =	simm.s32 @!p1 $0x0  }
0x14: {  	s2 =	sld [smem:$0x3F9C];
	s0 =	simm.s32 @p1 $0x1  }
0x15: {  	[smem:$0x3FB9] =	sst s0;
	s0 =	simm.s32 @!p2 $0x0  }
0x16: {  	s3 =	sld [smem:$0x3FDB];
	s0 =	simm.s32 @p2 $0x1  }
0x17: {  	s4 =	simm.s32 $0x1BF5;
	[smem:$0x3FBB] =	sst s0  }
0x18: {  	s0 =	sld [smem:$0x3F9E];
	_ =	swait.ge [sflag:s4], $0x0  }
0x19: {  	s7 =	sld [smem:$0x3F9F]  }
0x1a: {  	s8 =	sadd.s32 $0xFFFFE003, lr  }
0x1b: {  	s9 =	sadd.s32 $0xFFFFFEF7, lr;
	s5 =	simm.s32 $0xFFFFFFFF;
	p2 =	slt.u32 s8, $0xFFFFF086  }
0x1c: {  	p1 =	slt.u32 s9, $0xF7A;
	s5 =	simm.s32 @!p2 $0x0  }
0x1d: {  	s5 =	simm.s32 @p1 $0x1;
	p0 =	seq.s32 s7, s2  }
0x1e: {  	s7 =	smul.u32 @!p0 $0xF7A, s2;
	p2 =	seq.s32 @!p0 s5, $0x0  }
0x1f: {  	s9 =	smul.u32 $0xF7A, s1;
	s8 =	simm.s32 @!p0 $0x1BF5;
	p2 =	por !p2, p0  }
0x20: {  	[sflag:s8] =	ssyncset.s32 @!p0 $0xFFFFF086;
	s6 =	sadd.s32 @!p0 s3, s7;
	s7 =	simm.s32 @!p0 $0x108  }
0x21: {  	s3 =	sadd.s32 s3, s9;
	s6 =	sadd.s32 @!p0 $0x88, s6;
	s7 =	simm.s32 @p2 $0x1082  }
0x22: {  	[simem:s7], [sflag:s8] =	dma.local @!p0 [hbm:s6], $0xF7A  }
0x23: {  	s9 =	sor.u32 $0xD0000000, s2;
	s6 =	simm.s32 $0x108;
	_ =	swait.ge @!p0 [sflag:s8], $0x0  }
0x24: {  	s3 =	sadd.s32 $0x88, s3;
	s6 =	simm.s32 @!p1 $0x1082;
	[sflag:s4] =	ssyncset.s32 $0xFFFFF086  }
0x25: {  	[simem:s6], [sflag:s4] =	dma.local [hbm:s3], $0xF7A  }
0x26: {  	[smem:$0x3F9F] =	sst s1;
	(tag) =	ssettag s2;
	_ =	strace s9  }
0x27: {  	s1 =	sld [smem:$0x3FAF]  }
0x28: {  	s2 =	sld [smem:$0x3FB0]  }
0x29: {  	s4 =	sld [smem:$0x3FB2]  }
0x2a: {  	p0 =	seq.s32 s5, $0x0;
	s5 =	sld [smem:$0x3FB3]  }
0x2b: {  	s6 =	sld [smem:$0x3FB4]  }
0x2c: {  	s7 =	sld [smem:$0x3FB5]  }
0x2d: {  	s3 =	simm.s32 $0x108;
	s8 =	sld [smem:$0x3FB6]  }
0x2e: {  	s3 =	simm.s32 @!p0 $0x1082;
	s9 =	sld [smem:$0x3FB7]  }
0x2f: {  	lr =	sadd.s32 s0, s3;
	s0 =	sld [smem:$0x3FAE]  }
0x30: {  	s3 =	sld [smem:$0x3FB1]  }
0x31: {  	[smem:$0x3FBA] =	sst s10  }
0x32: {  	s10 =	sld [smem:$0x3FB8];
	_ =	sdelay $0x3  }
0x33: {  	p0 =	seq.s32 s10, $0x1;
	s10 =	sld [smem:$0x3FBA];
	_ =	sdelay $0x3  }
0x34: {  	[smem:$0x3FBA] =	sst s10  }
0x35: {  	s10 =	sld [smem:$0x3FB9];
	_ =	sdelay $0x3  }
0x36: {  	p1 =	seq.s32 s10, $0x1;
	s10 =	sld [smem:$0x3FBA];
	_ =	sdelay $0x3  }
0x37: {  	[smem:$0x3FBA] =	sst s10  }
0x38: {  	s10 =	sld [smem:$0x3FBB]  }
0x39: {  	_ = 	snop;
	(pc) =	sbr.ind lr, $3  }
0x3a: {  	_ = 	snop  }
0x3b: {  	_ = 	snop  }
0x3c: {  	p2 =	seq.s32 s10, $0x1;
	s10 =	sld [smem:$0x3FBA]  }
0x3d: {  	_ =	shalt  }
0x3e: {  	_ =	shalt  }
0x3f: {  	_ =	shalt  }
0x40: {  	_ =	shalt  }
0x41: {  	_ =	shalt  }
0x42: {  	_ =	shalt  }
0x43: {  	_ =	shalt  }
0x44: {  	_ =	shalt  }
0x45: {  	_ =	shalt  }
0x46: {  	_ =	shalt  }
0x47: {  	_ =	shalt  }
0x48: {  	_ =	shalt  }
0x49: {  	_ =	shalt  }
0x4a: {  	_ =	shalt  }
0x4b: {  	_ =	shalt  }
0x4c: {  	_ =	shalt  }
0x4d: {  	_ =	shalt  }
0x4e: {  	_ =	shalt  }
0x4f: {  	_ =	shalt  }
0x50: {  	_ =	shalt  }
0x51: {  	_ =	shalt  }
0x52: {  	_ =	shalt  }
0x53: {  	_ =	shalt  }
0x54: {  	_ =	shalt  }
0x55: {  	_ =	shalt  }
0x56: {  	_ =	shalt  }
0x57: {  	_ =	shalt  }
0x58: {  	_ =	shalt  }
0x59: {  	_ =	shalt  }
0x5a: {  	_ =	shalt  }
0x5b: {  	_ =	shalt  }
0x5c: {  	_ =	shalt  }
0x5d: {  	_ =	shalt  }
0x5e: {  	_ =	shalt  }
0x5f: {  	_ =	shalt  }
0x60: {  	_ =	shalt  }
0x61: {  	_ =	shalt  }
0x62: {  	_ =	shalt  }
0x63: {  	_ =	shalt  }
0x64: {  	_ =	shalt  }
0x65: {  	_ =	shalt  }
0x66: {  	_ =	shalt  }
0x67: {  	_ =	shalt  }
0x68: {  	_ =	shalt  }
0x69: {  	_ =	shalt  }
0x6a: {  	_ =	shalt  }
0x6b: {  	_ =	shalt  }
0x6c: {  	_ =	shalt  }
0x6d: {  	_ =	shalt  }
0x6e: {  	_ =	shalt  }
0x6f: {  	_ =	shalt  }
0x70: {  	_ =	shalt  }
0x71: {  	_ =	shalt  }
0x72: {  	_ =	shalt  }
0x73: {  	_ =	shalt  }
0x74: {  	_ =	shalt  }
0x75: {  	_ =	shalt  }
0x76: {  	_ =	shalt  }
0x77: {  	_ =	shalt  }
0x78: {  	_ =	shalt  }
0x79: {  	_ =	shalt  }
0x7a: {  	_ =	shalt  }
0x7b: {  	_ =	shalt  }
0x7c: {  	_ =	shalt  }
0x7d: {  	_ =	shalt  }
0x7e: {  	_ =	shalt  }
0x7f: {  	_ =	shalt  }
0x80: {  	_ =	shalt  }
0x81: {  	_ =	shalt  }
0x82: {  	_ =	shalt  }
0x83: {  	_ =	shalt  }
0x84: {  	_ =	shalt  }
0x85: {  	_ =	shalt  }
0x86: {  	_ =	shalt  }
0x87: {  	_ =	shalt  }
.Lfunc_end0:
.L_simem_size_0:
called_computation_lowered:
.L_overlay_start_0:
0x88: {  	s2 =	sld [smem:$0x3FD9]  }
0x89: {  	s3 =	sld [smem:$0x3FFE];
	_ =	sdelay $0x1  }
0x8a: {  	s1 =	srdreg.scid  }
0x8b: {  	s0 =	sand.u32 $0x1, s1  }
0x8c: {  	s16 =	sshll.u32 s0, $0xA;
	s2 =	sadd.s32 s3, s2  }
0x8d: {  	s2 =	sadd.s32 s2, s16  }
0x8e: {  	[smem:$0x3FC6] =	sst s2  }
0x8f: {  	_ = 	snop  }
0x90: {  	(tm) =	ssettm $0x1  }
0x91: {  	s17 =	sld [smem:$0x3FFB];
	_ =	sdelay $0x3  }
0x92: {  	_ =	strace s17  }
0x93: {  	s2 =	sld [smem:$0x3FFC];
	_ =	sdelay $0x3  }
0x94: {  	_ =	strace s2  }
0x95: {  	s2 =	sld [smem:$0x3FFD];
	_ =	sdelay $0x3  }
0x96: {  	_ =	strace s2  }
0x97: {  	_ =	strace $0x8FFFFFFF  }
0x98: {  	s18 =	sld [smem:$0x3FDB];
	_ =	sdelay $0x1  }
0x99: {  	s19 =	simm.s32 $_scs_section_size  }
0x9a: {  	s4 =	simm.s32 $_size__tile_overlayer_lowered;
	s5 =	simm.s32 $_tile_overlayer_lowered  }
0x9b: {  	s22 =	simm.s32 $0x1BFF;
	s21 =	sshll.u32 s5, $0x1;
	s2 =	sadd.s32 s19, s18  }
0x9c: {  	s6 =	simm.s32 $0x0;
	s20 =	sshll.u32 s4, $0x1;
	s4 =	sadd.s32 s21, s2  }
0x9d: {  	[timem:s6], [sflag:s22] =	dma.local [hbm:s4], s20  }
0x9e: {  	_ =	swait.ge [sflag:s22], s20  }
0x9f: {  	s3 =	ssub.s32 $0x0, s20;
	[sflag:s22] =	ssyncset.done $0x0  }
0xa0: {  	[sflag:s22] =	ssyncadd.s32 s3;
	_ =	sdelay $0x1  }
0xa1: {  	s23 =	simm.s32 $0x1B8B  }
0xa2: {  	_ =	swait.ge [sflag:s23], $0x1  }
0xa3: {  	[sflag:s23] =	ssyncset.done $0x0  }
0xa4: {  	s25 =	simm.s32 $0x1B8E;
	s24 =	sld [smem:$0x3FFE];
	[sflag:s23] =	ssyncadd.s32 $0xFFFFFFFF  }
0xa5: {  	s26 =	simm.s32 $execute0_lowered;
	[smem:$0x3FD2] =	sst s25  }
0xa6: {  	s4 =	sshll.u32 s26, $0x1;
	_ =	strace $0x80000046;
	[dreg:$0x1] =	wrdreg $0xFFFFFFFF  }
0xa7: {  	s28 =	simm.s32 $_size_execute0_lowered;
	s2 =	sadd.s32 s2, s4;
	[dreg:$0x0] =	wrdreg $0x0  }
0xa8: {  	s4 =	sshll.u32 s28, $0x1;
	[dreg:$0x2] =	wrdreg s2  }
0xa9: {  	[dreg:$0x3] =	wrdreg s4  }
0xaa: {  	[dreg:$0x4] =	wrdreg $0xC0  }
0xab: {  	_ =	task [dreg:s6], $0x5FFFF  }
0xac: {  	[dreg:$0x1] =	wrdreg $0xFFFFFFFF  }
0xad: {  	[dreg:$0x0] =	wrdreg $0x60  }
0xae: {  	[dreg:$0x2] =	wrdreg s24  }
0xaf: {  	[dreg:$0x3] =	wrdreg $0x9  }
0xb0: {  	_ =	task.clear_ibuf [dreg:s6], $0x4FFFF;
	_ =	strace $0x90000046  }
0xb1: {  	s29 =	simm.s32 $0x9;
	_ =	strace $0x80000048  }
0xb2: {  	_ =	swait.ge [sflag:s29], $0x1  }
0xb3: {  	[sflag:s29] =	ssyncadd.s32 $0xFFFFFFFF  }
0xb4: {  	_ =	strace $0x90000048  }
0xb5: {  	_ =	sfence  }
0xb6: {  	s30 =	sld [smem:$0x0];
	_ =	sdelay $0x2  }
0xb7: {  	s31 =	sshll.u32 s1, $0xD;
	s1 =	sshrl.u32 s1, $0x2  }
0xb8: {  	s3 =	sand.u32 $0x4000, s31;
	s1 =	sadd.s32 s1, s30  }
0xb9: {  	s0 =	sor.u32 s3, s0;
	s1 =	sshll.u32 s1, $0x11  }
0xba: {  	s0 =	sor.u32 s1, s0  }
0xbb: {  	s0 =	sadd.s32 $0x8F2B, s0  }
0xbc: {  	[sflag:s0] =	ssyncadd.remote.s32 $0x1  }
0xbd: {  	_ =	sfence.sel $0xFFFF  }
0xbe: {  	[dreg:$0x0] =	wrdreg $0xFFFFFFFF;
	(pc) =	sbr.abs _section_cstart, $3  }
0xbf: {  	[dreg:$0x1] =	wrdreg $0xFFFFFFFF  }
0xc0: {  	_ =	task.clear_ibuf [dreg:s6], $0x2FFFF;
	_ =	strace $0x9FFFFFFF  }
0xc1: {  	(tm) =	ssettm $0x7FFFFFFF  }
tec
execute0_lowered:
.L_overlay_start_1:
0x0: {  	(tag) =	ssettag $0x1  }
0x1: {  	s1 =	rddreg [dreg:$0x0]  }
0x2: {  	s0 =	rddreg [dreg:$0x1];
	s2 =	simm.s32 $0x0;
	s3 =	srdreg.scid;
	v0 =	vimm.s32 $0xEDCBA987  }
0x3: {  	v1 =	vimm.s32 $0x65432100;
	s9 =	simm.s32 $0x6200;
	s10 =	simm.s32 $0x1;
	s11 =	simm.s32 $0x2;
	v0 =	vunpack.c.l.s4.s8 v0  }
0x4: {  	s12 =	simm.s32 $0xC400;
	s13 =	simm.s32 $0x3;
	s14 =	simm.s32 $0x0;
	v1 =	vunpack.c.l.s4.s8 v1  }
.Ltmp0:
0x5: {  	[smem:$0x7FF] =	sst s2;
	s4 =	sand.u32 $0x1, s3;
	v0 =	vunpack.c.0.s8.s32 v0;
	(pc) =	sbr.rel .LBB2_1-.Ltmp0, $4  }
0x6: {  	s3 =	stileid.u32;
	_ =	strace $0x80000047;
	s5 =	ssub.s32 $0x2, s4;
	v1 =	vunpack.c.0.s8.s32 v1  }
0x7: {  	vm0 =	vmmov $0x1;
	s7 =	sshll.u32 s3, $0x6;
	s8 =	sshll.u32 s4, $0x5;
	s6 =	sshrl.u32 s5, $0x1;
	v2 =	vand.u32 $0xF, v0  }
0x8: {  	s4 =	sadd.s32 $0x188000, s1;
	s6 =	ssub.s32 s5, s6;
	s5 =	sor.u32 s8, s7;
	v0 =	vlaneseq.u32;
	v1 =	vcombine.low v1, v2;
	v2 =	vimm.s32 $0xF  }
0x9: {  	s7 =	simm.s32 $0x80;
	s8 =	simm.s32 $0x400;
	s6 =	smax.u32 s6, $0x1;
	v3 =	vor.u32 $0x10, v0;
	v4 =	vor.u32 $0x6200, v0;
	v5 =	vor.u32 $0xC400, v0  }
.LBB2_19:
0xa: {  	s14 =	sadd.s32 $0x1, s14  }
0xb: {  	p0 =	sne.s32 s14, s6  }
.Ltmp1:
0xc: {  	_ = 	snop;
	(pc) =	sbr.rel @!p0 .LBB2_20-.Ltmp1, $1  }
0xd: {  	_ =	sdelay $0x3  }
.LBB2_1:
.Ltmp2:
0xe: {  	(pc) =	sbr.rel .LBB2_2-.Ltmp2, $2  }
0xf: {  	_ =	sdelay $0x2  }
0x10: {  	s15 =	simm.s32 $0x0  }
.LBB2_18:
0x11: {  	s16 =	sshll.u32 s16, $0xA  }
0x12: {  	s15 =	sadd.s32 $0x1, s15;
	s16 =	sor.u32 s17, s16  }
0x13: {  	[tilespmem:$0xC400] =	vst v7;
	p0 =	sne.s32 s15, $0x20;
	s16 =	sshrl.u32 s16, $0x3  }
.Ltmp3:
0x14: {  	[tilespmem:$0xC410] =	vst v6;
	s16 =	sadd.s32 s1, s16;
	(pc) =	sbr.rel @!p0 .LBB2_19-.Ltmp3, $4  }
0x15: {  	[hbm4b:s16+s2] =	stream.linear.scatter [tilespmem:s12], [sflag:$0x3], $0x80, $0x38;
	[tilespmem:$0xC480] =	vst v63  }
0x16: {  	_ =	swait.ge [sflag:s13], $0x80  }
0x17: {  	[sflag:s13] =	ssyncset.done $0x0  }
0x18: {  	[sflag:s13] =	ssyncadd.s32 $0xFFFFFF80  }
.LBB2_2:
0x19: {  	s16 =	sadd.s32 s5, s15  }
0x1a: {  	s16 =	sshrl.u32 s16, $0x3  }
0x1b: {  	s17 =	sshll.u32 s15, $0x7;
	s18 =	smul.u32 $0xC4000, s16  }
0x1c: {  	s17 =	sand.u32 $0x380, s17  }
0x1d: {  	s18 =	sor.u32 s17, s18  }
0x1e: {  	s18 =	sshrl.u32 s18, $0x3  }
0x1f: {  	s19 =	simm.s32 $0x0;
	s18 =	sadd.s32 s4, s18  }
0x20: {  	[tilespmem:s19], [sflag:$0x1] =	stream.strided.gather [hbm4b:s18+s7], $0x6200, s8, s7, $0x38;
	[tilespmem:$0xC480] =	vst v63  }
.Ltmp4:
0x21: {  	s20 =	sadd.s32 $0x6200, s18;
	(pc) =	sbr.rel .LBB2_3-.Ltmp4, $4  }
0x22: {  	[tilespmem:s9], [sflag:$0x2] =	stream.strided.gather [hbm4b:s20+s7], $0x6200, s8, s7, $0x38;
	[tilespmem:$0xC480] =	vst v63  }
0x23: {  	_ =	swait.ge [sflag:s10], $0x6200  }
0x24: {  	v6 =	vimm.s32 $0x0;
	v10 =	vimm.s32 $0x7FFFFFFF;
	v11 =	vlaneseq.u32;
	[sflag:s10] =	ssyncset.done $0x0  }
0x25: {  	v7 =	vimm.s32 $0x0;
	v8 =	vimm.s32 $0x7FFFFFFF;
	v9 =	vimm.s32 $0x7FFFFFFF;
	[sflag:s10] =	ssyncadd.s32 $0xFFFF9E00  }
.LBB2_5:
0x26: {  	s19 =	sadd.s32 $0x1, s19  }
0x27: {  	p0 =	sne.s32 s19, $0x620  }
.Ltmp5:
0x28: {  	_ = 	snop;
	(pc) =	sbr.rel @!p0 .LBB2_6-.Ltmp5, $2  }
0x29: {  	_ =	sdelay $0x2  }
0x2a: {  	v11 =	vadd.s32 $0x10, v11  }
.LBB2_3:
0x2b: {  	s20 =	sshll.u32 s19, $0x4  }
0x2c: {  	s20 =	sand.u32 $0x3FFFFFF0, s20  }
0x2d: {  	v12 =	vld [tilespmem:s20+$0x0];
	_ =	sdelay $0x4  }
0x2e: {  	vm1 =	vlt.s32 v12, v10  }
0x2f: {  	v13 =	vmpcnt.ones.xlane vm1;
	_ =	sdelay $0x1  }
0x30: {  	(v2sf) =	vpush v13, $0x0;
	_ =	sdelay $0xe  }
0x31: {  	s31 =	spop (v2sf)  }
0x32: {  	p0 =	slt.s32 s31, $0x1  }
.Ltmp6:
0x33: {  	_ = 	snop;
	(pc) =	sbr.rel @p0 .LBB2_5-.Ltmp6, $1  }
0x34: {  	_ =	sdelay $0x3  }
.LBB2_4:
0x35: {  	v13 =	vmctz.xlane vm1;
	_ =	sdelay $0x1  }
0x36: {  	v14 =	vperm.xlane v12, v13;
	_ =	sdelay $0x1  }
0x37: {  	vm2 =	vle.s32 v9, v14;
	vm3 =	vle.s32 v8, v14  }
0x38: {  	v10 =	vmpcnt.ones.xlane vm2;
	v15 =	vmpcnt.ones.xlane vm3  }
0x39: {  	v16 =	vperm.xlane v8, v1;
	v17 =	vperm.xlane v9, v2  }
0x3a: {  	v15 =	vadd.s32 v10, v15  }
0x3b: {  	v10 =	vsel vm0, v17, v16;
	vm2 =	veq.s32 v15, v3  }
0x3c: {  	vm3 =	vgt.s32 v15, v3;
	v10 =	vsel vm2, v14, v10  }
0x3d: {  	v8 =	vsel vm3, v8, v10  }
0x3e: {  	v10 =	vperm.xlane v8, v2;
	_ =	sdelay $0x1  }
0x3f: {  	vm4 =	vne.s32 v13, v0;
	vm5 =	vlt.s32 v12, v10  }
0x40: {  	vm4 =	vmand vm4, vm5  }
0x41: {  	vm1 =	vmand vm1, vm4  }
0x42: {  	v59 =	vmpcnt.ones.xlane vm1;
	_ =	sdelay $0x1  }
0x43: {  	(v2sf) =	vpush v59, $0x0;
	_ =	sdelay $0xe  }
0x44: {  	s20 =	spop (v2sf)  }
0x45: {  	v60 =	vperm.xlane v9, v1;
	p0 =	sgt.s32 s20, $0x0  }
.Ltmp7:
0x46: {  	v61 =	vperm.xlane v6, v1;
	v18 =	vperm.xlane v7, v2;
	(pc) =	sbr.rel @p0 .LBB2_4-.Ltmp7, $4  }
0x47: {  	v19 =	vperm.xlane v7, v1;
	v13 =	vperm.xlane v11, v13;
	vm15 =	veq.s32 v15, v0  }
0x48: {  	v62 =	vsel vm0, v18, v61;
	v14 =	vsel vm15, v14, v60  }
0x49: {  	v63 =	vsel vm15, v13, v19;
	v13 =	vsel vm2, v13, v62;
	vm2 =	vgt.s32 v15, v0  }
0x4a: {  	v9 =	vsel vm2, v9, v14;
	v7 =	vsel vm2, v7, v63;
	v6 =	vsel vm3, v6, v13  }
.Ltmp8:
0x4b: {  	_ = 	snop;
	(pc) =	sbr.rel .LBB2_5-.Ltmp8, $1  }
0x4c: {  	_ =	sdelay $0x3  }
.LBB2_6:
.Ltmp9:
0x4d: {  	s20 =	sadd.s32 $0xC400, s18;
	s19 =	simm.s32 $0x0;
	(pc) =	sbr.rel .LBB2_7-.Ltmp9, $4  }
0x4e: {  	[tilespmem:s19], [sflag:$0x1] =	stream.strided.gather [hbm4b:s20+s7], $0x6200, s8, s7, $0x38;
	[tilespmem:$0xC480] =	vst v63  }
0x4f: {  	_ =	swait.ge [sflag:s11], $0x6200  }
0x50: {  	[sflag:s11] =	ssyncset.done $0x0  }
0x51: {  	v11 =	vmov v4;
	[sflag:s11] =	ssyncadd.s32 $0xFFFF9E00  }
.LBB2_9:
0x52: {  	s19 =	sadd.s32 $0x1, s19  }
0x53: {  	p0 =	sne.s32 s19, $0x620  }
.Ltmp10:
0x54: {  	_ = 	snop;
	(pc) =	sbr.rel @!p0 .LBB2_10-.Ltmp10, $2  }
0x55: {  	_ =	sdelay $0x2  }
0x56: {  	v11 =	vadd.s32 $0x10, v11  }
.LBB2_7:
0x57: {  	s20 =	sshll.u32 s19, $0x4  }
0x58: {  	s20 =	sand.u32 $0x3FFFFFF0, s20  }
0x59: {  	v12 =	vld [tilespmem:s20+$0x6200];
	_ =	sdelay $0x4  }
0x5a: {  	vm1 =	vlt.s32 v12, v10  }
0x5b: {  	v13 =	vmpcnt.ones.xlane vm1;
	_ =	sdelay $0x1  }
0x5c: {  	(v2sf) =	vpush v13, $0x0;
	_ =	sdelay $0xe  }
0x5d: {  	s31 =	spop (v2sf)  }
0x5e: {  	p0 =	slt.s32 s31, $0x1  }
.Ltmp11:
0x5f: {  	_ = 	snop;
	(pc) =	sbr.rel @p0 .LBB2_9-.Ltmp11, $1  }
0x60: {  	_ =	sdelay $0x3  }
.LBB2_8:
0x61: {  	v13 =	vmctz.xlane vm1;
	_ =	sdelay $0x1  }
0x62: {  	v14 =	vperm.xlane v12, v13;
	_ =	sdelay $0x1  }
0x63: {  	vm2 =	vle.s32 v9, v14;
	vm3 =	vle.s32 v8, v14  }
0x64: {  	v10 =	vmpcnt.ones.xlane vm2;
	v15 =	vmpcnt.ones.xlane vm3  }
0x65: {  	v16 =	vperm.xlane v8, v1;
	v17 =	vperm.xlane v9, v2  }
0x66: {  	v15 =	vadd.s32 v10, v15  }
0x67: {  	v10 =	vsel vm0, v17, v16;
	vm2 =	veq.s32 v15, v3  }
0x68: {  	vm3 =	vgt.s32 v15, v3;
	v10 =	vsel vm2, v14, v10  }
0x69: {  	v8 =	vsel vm3, v8, v10  }
0x6a: {  	v10 =	vperm.xlane v8, v2;
	_ =	sdelay $0x1  }
0x6b: {  	vm4 =	vne.s32 v13, v0;
	vm5 =	vlt.s32 v12, v10  }
0x6c: {  	vm4 =	vmand vm4, vm5  }
0x6d: {  	vm1 =	vmand vm1, vm4  }
0x6e: {  	v59 =	vmpcnt.ones.xlane vm1;
	_ =	sdelay $0x1  }
0x6f: {  	(v2sf) =	vpush v59, $0x0;
	_ =	sdelay $0xe  }
0x70: {  	s20 =	spop (v2sf)  }
0x71: {  	v60 =	vperm.xlane v9, v1;
	p0 =	sgt.s32 s20, $0x0  }
.Ltmp12:
0x72: {  	v61 =	vperm.xlane v6, v1;
	v18 =	vperm.xlane v7, v2;
	(pc) =	sbr.rel @p0 .LBB2_8-.Ltmp12, $4  }
0x73: {  	v19 =	vperm.xlane v7, v1;
	v13 =	vperm.xlane v11, v13;
	vm15 =	veq.s32 v15, v0  }
0x74: {  	v62 =	vsel vm0, v18, v61;
	v14 =	vsel vm15, v14, v60  }
0x75: {  	v63 =	vsel vm15, v13, v19;
	v13 =	vsel vm2, v13, v62;
	vm2 =	vgt.s32 v15, v0  }
0x76: {  	v9 =	vsel vm2, v9, v14;
	v7 =	vsel vm2, v7, v63;
	v6 =	vsel vm3, v6, v13  }
.Ltmp13:
0x77: {  	_ = 	snop;
	(pc) =	sbr.rel .LBB2_9-.Ltmp13, $1  }
0x78: {  	_ =	sdelay $0x3  }
.LBB2_10:
.Ltmp14:
0x79: {  	s18 =	sadd.s32 $0x12600, s18;
	(pc) =	sbr.rel .LBB2_11-.Ltmp14, $4  }
0x7a: {  	[tilespmem:s9], [sflag:$0x2] =	stream.strided.gather [hbm4b:s18+s7], $0x6200, s8, s7, $0x38;
	[tilespmem:$0xC480] =	vst v63  }
0x7b: {  	_ =	swait.ge [sflag:s10], $0x6200  }
0x7c: {  	[sflag:s10] =	ssyncset.done $0x0  }
0x7d: {  	v11 =	vmov v5;
	s18 =	simm.s32 $0x0;
	[sflag:s10] =	ssyncadd.s32 $0xFFFF9E00  }
.LBB2_13:
0x7e: {  	s18 =	sadd.s32 $0x1, s18  }
0x7f: {  	p0 =	sne.s32 s18, $0x620  }
.Ltmp15:
0x80: {  	_ = 	snop;
	(pc) =	sbr.rel @!p0 .LBB2_14-.Ltmp15, $2  }
0x81: {  	_ =	sdelay $0x2  }
0x82: {  	v11 =	vadd.s32 $0x10, v11  }
.LBB2_11:
0x83: {  	s19 =	sshll.u32 s18, $0x4  }
0x84: {  	s19 =	sand.u32 $0x3FFFFFF0, s19  }
0x85: {  	v12 =	vld [tilespmem:s19+$0x0];
	_ =	sdelay $0x4  }
0x86: {  	vm1 =	vlt.s32 v12, v10  }
0x87: {  	v13 =	vmpcnt.ones.xlane vm1;
	_ =	sdelay $0x1  }
0x88: {  	(v2sf) =	vpush v13, $0x0;
	_ =	sdelay $0xe  }
0x89: {  	s31 =	spop (v2sf)  }
0x8a: {  	p0 =	slt.s32 s31, $0x1  }
.Ltmp16:
0x8b: {  	_ = 	snop;
	(pc) =	sbr.rel @p0 .LBB2_13-.Ltmp16, $1  }
0x8c: {  	_ =	sdelay $0x3  }
.LBB2_12:
0x8d: {  	v13 =	vmctz.xlane vm1;
	_ =	sdelay $0x1  }
0x8e: {  	v14 =	vperm.xlane v12, v13;
	_ =	sdelay $0x1  }
0x8f: {  	vm2 =	vle.s32 v9, v14;
	vm3 =	vle.s32 v8, v14  }
0x90: {  	v10 =	vmpcnt.ones.xlane vm2;
	v15 =	vmpcnt.ones.xlane vm3  }
0x91: {  	v16 =	vperm.xlane v8, v1;
	v17 =	vperm.xlane v9, v2  }
0x92: {  	v15 =	vadd.s32 v10, v15  }
0x93: {  	v10 =	vsel vm0, v17, v16;
	vm2 =	veq.s32 v15, v3  }
0x94: {  	vm3 =	vgt.s32 v15, v3;
	v10 =	vsel vm2, v14, v10  }
0x95: {  	v8 =	vsel vm3, v8, v10  }
0x96: {  	v10 =	vperm.xlane v8, v2;
	_ =	sdelay $0x1  }
0x97: {  	vm4 =	vne.s32 v13, v0;
	vm5 =	vlt.s32 v12, v10  }
0x98: {  	vm4 =	vmand vm4, vm5  }
0x99: {  	vm1 =	vmand vm1, vm4  }
0x9a: {  	v59 =	vmpcnt.ones.xlane vm1;
	_ =	sdelay $0x1  }
0x9b: {  	(v2sf) =	vpush v59, $0x0;
	_ =	sdelay $0xe  }
0x9c: {  	s19 =	spop (v2sf)  }
0x9d: {  	v60 =	vperm.xlane v9, v1;
	p0 =	sgt.s32 s19, $0x0  }
.Ltmp17:
0x9e: {  	v61 =	vperm.xlane v6, v1;
	v18 =	vperm.xlane v7, v2;
	(pc) =	sbr.rel @p0 .LBB2_12-.Ltmp17, $4  }
0x9f: {  	v19 =	vperm.xlane v7, v1;
	v13 =	vperm.xlane v11, v13;
	vm15 =	veq.s32 v15, v0  }
0xa0: {  	v62 =	vsel vm0, v18, v61;
	v14 =	vsel vm15, v14, v60  }
0xa1: {  	v63 =	vsel vm15, v13, v19;
	v13 =	vsel vm2, v13, v62;
	vm2 =	vgt.s32 v15, v0  }
0xa2: {  	v9 =	vsel vm2, v9, v14;
	v7 =	vsel vm2, v7, v63;
	v6 =	vsel vm3, v6, v13  }
.Ltmp18:
0xa3: {  	_ = 	snop;
	(pc) =	sbr.rel .LBB2_13-.Ltmp18, $1  }
0xa4: {  	_ =	sdelay $0x3  }
.LBB2_14:
.Ltmp19:
0xa5: {  	(pc) =	sbr.rel .LBB2_15-.Ltmp19, $4  }
0xa6: {  	_ = 	snop  }
0xa7: {  	_ =	swait.ge [sflag:s11], $0x6200  }
0xa8: {  	[sflag:s11] =	ssyncset.done $0x0  }
0xa9: {  	v11 =	vor.u32 $0x12600, v0;
	s18 =	simm.s32 $0x0;
	[sflag:s11] =	ssyncadd.s32 $0xFFFF9E00  }
.LBB2_17:
0xaa: {  	s18 =	sadd.s32 $0x1, s18  }
0xab: {  	p0 =	sne.s32 s18, $0x620  }
.Ltmp20:
0xac: {  	_ = 	snop;
	(pc) =	sbr.rel @!p0 .LBB2_18-.Ltmp20, $2  }
0xad: {  	_ =	sdelay $0x2  }
0xae: {  	v11 =	vadd.s32 $0x10, v11  }
.LBB2_15:
0xaf: {  	s19 =	sshll.u32 s18, $0x4  }
0xb0: {  	s19 =	sand.u32 $0x3FFFFFF0, s19  }
0xb1: {  	v12 =	vld [tilespmem:s19+$0x6200];
	_ =	sdelay $0x4  }
0xb2: {  	vm1 =	vlt.s32 v12, v10  }
0xb3: {  	v13 =	vmpcnt.ones.xlane vm1;
	_ =	sdelay $0x1  }
0xb4: {  	(v2sf) =	vpush v13, $0x0;
	_ =	sdelay $0xe  }
0xb5: {  	s31 =	spop (v2sf)  }
0xb6: {  	p0 =	slt.s32 s31, $0x1  }
.Ltmp21:
0xb7: {  	_ = 	snop;
	(pc) =	sbr.rel @p0 .LBB2_17-.Ltmp21, $1  }
0xb8: {  	_ =	sdelay $0x3  }
.LBB2_16:
0xb9: {  	v13 =	vmctz.xlane vm1;
	_ =	sdelay $0x1  }
0xba: {  	v14 =	vperm.xlane v12, v13;
	_ =	sdelay $0x1  }
0xbb: {  	vm2 =	vle.s32 v9, v14;
	vm3 =	vle.s32 v8, v14  }
0xbc: {  	v10 =	vmpcnt.ones.xlane vm2;
	v15 =	vmpcnt.ones.xlane vm3  }
0xbd: {  	v16 =	vperm.xlane v8, v1;
	v17 =	vperm.xlane v9, v2  }
0xbe: {  	v15 =	vadd.s32 v10, v15  }
0xbf: {  	v10 =	vsel vm0, v17, v16;
	vm2 =	veq.s32 v15, v3  }
0xc0: {  	vm3 =	vgt.s32 v15, v3;
	v10 =	vsel vm2, v14, v10  }
0xc1: {  	v8 =	vsel vm3, v8, v10  }
0xc2: {  	v10 =	vperm.xlane v8, v2;
	_ =	sdelay $0x1  }
0xc3: {  	vm4 =	vne.s32 v13, v0;
	vm5 =	vlt.s32 v12, v10  }
0xc4: {  	vm4 =	vmand vm4, vm5  }
0xc5: {  	vm1 =	vmand vm1, vm4  }
0xc6: {  	v59 =	vmpcnt.ones.xlane vm1;
	_ =	sdelay $0x1  }
0xc7: {  	(v2sf) =	vpush v59, $0x0;
	_ =	sdelay $0xe  }
0xc8: {  	s19 =	spop (v2sf)  }
0xc9: {  	v60 =	vperm.xlane v9, v1;
	p0 =	sgt.s32 s19, $0x0  }
.Ltmp22:
0xca: {  	v61 =	vperm.xlane v6, v1;
	v18 =	vperm.xlane v7, v2;
	(pc) =	sbr.rel @p0 .LBB2_16-.Ltmp22, $4  }
0xcb: {  	v19 =	vperm.xlane v7, v1;
	v13 =	vperm.xlane v11, v13;
	vm15 =	veq.s32 v15, v0  }
0xcc: {  	v62 =	vsel vm0, v18, v61;
	v14 =	vsel vm15, v14, v60  }
0xcd: {  	v63 =	vsel vm15, v13, v19;
	v13 =	vsel vm2, v13, v62;
	vm2 =	vgt.s32 v15, v0  }
0xce: {  	v9 =	vsel vm2, v9, v14;
	v7 =	vsel vm2, v7, v63;
	v6 =	vsel vm3, v6, v13  }
.Ltmp23:
0xcf: {  	_ = 	snop;
	(pc) =	sbr.rel .LBB2_17-.Ltmp23, $1  }
0xd0: {  	_ =	sdelay $0x3  }
.LBB2_20:
0xd1: {  	_ =	sfence.sel $0x180000  }
0xd2: {  	[bflag:$0x0] =	sbarrier.arrive $0xFFFF  }
0xd3: {  	p0 =	sne.s32 s3, $0x0;
	_ =	strace $0x90000047  }
0xd4: {  	s0 =	sadd.s32 @!p0 $0x100000, s0;
	[bflag:$0x2] =	sbarrier.arrive $0xFFFF  }
0xd5: {  	[sflag:s0] =	ssyncadd.tile.s32 @!p0 $0x1;
	_ =	shalt  }
.Lfunc_end2:
_tile_overlayer_lowered:
.L_overlay_start_2:
0xd6: {  	(tag) =	ssettag $0x2  }
0xd7: {  	s0 =	rddreg [dreg:$0x0];
	s2 =	stileid.u32  }
0xd8: {  	s1 =	rddreg [dreg:$0x1];
	p0 =	sne.s32 s2, $0x0  }
0xd9: {  	s3 =	rddreg [dreg:$0x2];
	[bflag:$0x3] =	sbarrier.arrive $0xFFFF;
	s2 =	simm.s32 @!p0 $0x1C03  }
0xda: {  	[timem:s3], [sflag:s2] =	dma.local @!p0 [hbm:s0], s1  }
0xdb: {  	s0 =	simm.s32 @!p0 $0x3  }
0xdc: {  	_ =	swait.ge @!p0 [sflag:s0], s1  }
0xdd: {  	s1 =	ssub.s32 @!p0 $0x0, s1;
	[sflag:s0] =	ssyncset.done @!p0 $0x0  }
0xde: {  	[sflag:s0] =	ssyncadd.s32 @!p0 s1  }
0xdf: {  	[bflag:$0x3] =	sbarrier.arrive $0xFFFF  }
0xe0: {  	_ =	shalt  }

</sc_bundles>
